<compile_context>
chip_gen: v7x
topology: tpu7x:2x2x1
jax: 0.10.2.dev20260603
libtpu: 0.0.44.dev20260713+nightly
codegen_flags: <defaults>
</compile_context>

<pallas_src>
import functools

import jax
import jax.numpy as jnp
from jax import lax
from jax.experimental import pallas as pl
from jax.experimental.pallas import tpu as pltpu
from jax.experimental.pallas import tpu_sc as plsc

N_NODES = 10000
N_EDGES = 320000
D = 128

NC = 2
NS = 16
N_TILES = NC * NS

EDGES_PER_TILE = N_EDGES // N_TILES
BATCH = 96
N_BATCHES = EDGES_PER_TILE // BATCH
TAIL = EDGES_PER_TILE - N_BATCHES * BATCH
N_PAD = 10240
ROWS_PER_TILE = N_PAD // NS
CHUNK = 80
N_CHUNKS = ROWS_PER_TILE // CHUNK


@functools.partial(
    pl.kernel,
    mesh=plsc.VectorSubcoreMesh(core_axis_name="c", subcore_axis_name="s"),
    compiler_params=pltpu.CompilerParams(use_tc_tiling_on_sc=False),
    out_type=jax.ShapeDtypeStruct((NC, N_PAD, D), jnp.float32),
    scratch_types=[
        pltpu.VMEM((EDGES_PER_TILE,), jnp.int32),
        pltpu.VMEM((EDGES_PER_TILE,), jnp.int32),
        pltpu.VMEM((2, BATCH, D), jnp.float32),
        pltpu.VMEM_SHARED((N_PAD, D), jnp.float32),
        [pltpu.SemaphoreType.DMA] * 2,
        pltpu.SemaphoreType.DMA,
    ],
)
def _aggregate(ei_hbm, feat_hbm, out_hbm,
               src_v, dst_v, rows_v, acc_sh, gsems, psem):
    c = lax.axis_index("c")
    s = lax.axis_index("s")
    w = c * NS + s

    ebase = w * EDGES_PER_TILE
    pltpu.async_copy(ei_hbm.at[0, pl.ds(ebase, EDGES_PER_TILE)], src_v, psem)
    pltpu.async_copy(ei_hbm.at[1, pl.ds(ebase, EDGES_PER_TILE)], dst_v, psem)

    zeros16 = jnp.zeros((16,), jnp.float32)

    def zero_body(i, _):
        r = i // (D // 16)
        col = (i % (D // 16)) * 16
        rows_v[0, r, pl.ds(col, 16)] = zeros16
        return 0

    lax.fori_loop(0, CHUNK * (D // 16), zero_body, 0)

    row0 = s * ROWS_PER_TILE
    zsrc = rows_v.at[0].at[pl.ds(0, CHUNK)]
    for j in range(N_CHUNKS):
        pltpu.async_copy(zsrc, acc_sh.at[pl.ds(row0 + j * CHUNK, CHUNK)], psem)
    for j in range(N_CHUNKS):
        pltpu.make_async_copy(zsrc, acc_sh.at[pl.ds(row0 + j * CHUNK, CHUNK)],
                              psem).wait()
    pltpu.make_async_copy(ei_hbm.at[0, pl.ds(ebase, EDGES_PER_TILE)], src_v,
                          psem).wait()
    pltpu.make_async_copy(ei_hbm.at[1, pl.ds(ebase, EDGES_PER_TILE)], dst_v,
                          psem).wait()
    plsc.subcore_barrier()

    def gather_start(i, slot):
        idx = src_v.at[pl.ds(i * BATCH, BATCH)]
        pltpu.async_copy(feat_hbm.at[idx], rows_v.at[slot], gsems[slot])

    def gather_wait(i, slot):
        idx = src_v.at[pl.ds(i * BATCH, BATCH)]
        pltpu.make_async_copy(feat_hbm.at[idx], rows_v.at[slot],
                              gsems[slot]).wait()

    gather_start(0, 0)
    gather_start(1, 1)

    def pair_body(k, _):
        for slot in range(2):
            i = 2 * k + slot
            gather_wait(i, slot)
            didx = dst_v.at[pl.ds(i * BATCH, BATCH)]
            pltpu.sync_copy(rows_v.at[slot], acc_sh.at[didx], add=True)

            @pl.when(i + 2 < N_BATCHES)
            def _():
                gather_start(i + 2, slot)
        return 0

    lax.fori_loop(0, N_BATCHES // 2, pair_body, 0)
    tidx = src_v.at[pl.ds(N_BATCHES * BATCH, TAIL)]
    trows = rows_v.at[0].at[pl.ds(0, TAIL)]
    pltpu.async_copy(feat_hbm.at[tidx], trows, gsems[0]).wait()
    tdidx = dst_v.at[pl.ds(N_BATCHES * BATCH, TAIL)]
    pltpu.sync_copy(trows, acc_sh.at[tdidx], add=True)
    plsc.subcore_barrier()

    pltpu.sync_copy(acc_sh.at[pl.ds(row0, ROWS_PER_TILE)],
                    out_hbm.at[c, pl.ds(row0, ROWS_PER_TILE)])


def _linear_body(h0_ref, h1_ref, w_ref, b_ref, o_ref):
    h = h0_ref[0] + h1_ref[0]
    y = jnp.dot(h, w_ref[...], preferred_element_type=jnp.float32)
    o_ref[...] = jnp.maximum(y + b_ref[...], 0.0)


_ROW_BLK = 1000

_linear = pl.pallas_call(
    _linear_body,
    grid=(N_NODES // _ROW_BLK,),
    in_specs=[
        pl.BlockSpec((1, _ROW_BLK, D), lambda i: (0, i, 0)),
        pl.BlockSpec((1, _ROW_BLK, D), lambda i: (1, i, 0)),
        pl.BlockSpec((D, D), lambda i: (0, 0)),
        pl.BlockSpec((1, D), lambda i: (0, 0)),
    ],
    out_specs=pl.BlockSpec((_ROW_BLK, D), lambda i: (i, 0)),
    out_shape=jax.ShapeDtypeStruct((N_NODES, D), jnp.float32),
)


def kernel(features, edge_index, W, b):
    ei = edge_index.astype(jnp.int32)
    hp = _aggregate(ei, features)
    return _linear(hp, hp, W, b.reshape(1, D))

# --- scband reference (transcript-rebuilt; emitter-appended) ---
"""Pipeline reference for scband-gcnlayer-49211735277630 (READ-ONLY COPY).

The authoritative reference and input builder live on the scoring server;
editing this copy changes nothing except your own understanding.
"""

import jax, jax.numpy as jnp
import numpy as np

N_NODES = 10000
N_EDGES = 320000
D_IN = 128
D_OUT = 128


def setup_inputs(seed: int = 0) -> dict:
    key = jax.random.key(seed)
    k1, k2, k3 = jax.random.split(key, 3)
    features = jax.random.normal(k1, (N_NODES, D_IN), dtype=jnp.float32)
    edge_index = jax.random.randint(k2, (2, N_EDGES), 0, N_NODES, dtype=jnp.int64)
    # Keras Dense kernel (glorot-like scale)
    W = jax.random.normal(k3, (D_IN, D_OUT), dtype=jnp.float32) * (1.0 / np.sqrt(D_IN))
    b = jnp.zeros((D_OUT,), dtype=jnp.float32)
    return {"features": features, "edge_index": edge_index, "W": W, "b": b}


def reference(features, edge_index, W, b):
    # DGL copy_src -> message m = h[src]; sum reduce at dst -> h
    src = edge_index[0]
    dst = edge_index[1]
    messages = jnp.take(features, src, axis=0)           # gather [E, D_IN]
    h = jax.ops.segment_sum(messages, dst, num_segments=N_NODES)  # scatter-add [N, D_IN]
    # linear + activation
    out = h @ W + b
    out = jax.nn.relu(out)
    return out

if __name__ == "__main__":
    import jax
    _d = setup_inputs()
    print(jax.jit(kernel)(*tuple(_d.values())))

</pallas_src>

<mosaic_0001>
#map = affine_map<(d0, d1) -> (0, 0)>
#map1 = affine_map<(d0, d1) -> (0, 0, 0)>
module attributes {stable_mosaic.version = 14 : i64} {
  func.func @_aggregate(%arg0: i32, %arg1: i32, %arg2: memref<2x320000xi32, #tpu.memory_space<hbm>>, %arg3: memref<10000x128xf32, #tpu.memory_space<hbm>>, %arg4: memref<2x10240x128xf32, #tpu.memory_space<hbm>>, %arg5: memref<10000xi32, #tpu.memory_space<vmem>>, %arg6: memref<10000xi32, #tpu.memory_space<vmem>>, %arg7: memref<2x96x128xf32, #tpu.memory_space<vmem>>, %arg8: memref<10240x128xf32, #tpu.memory_space<vmem_shared>>, %arg9: memref<!tpu.dma_semaphore, #tpu.memory_space<semaphore_mem>>, %arg10: memref<!tpu.dma_semaphore, #tpu.memory_space<semaphore_mem>>, %arg11: memref<!tpu.dma_semaphore, #tpu.memory_space<semaphore_mem>>) attributes {dimension_semantics = [#tpu.dimension_semantics<core_parallel>, #tpu.dimension_semantics<subcore_parallel>], iteration_bounds = array<i64: 2, 16>, scalar_prefetch = 0 : i64, scratch_operands = 7 : i64, tpu.core_type = #tpu.core_type<sc_vector_subcore>, window_params = [{transform_indices = #map}, {transform_indices = #map}, {transform_indices = #map1}]} {
    %mul3A = arith.constant 16 : i32
    %mul3A_0 = arith.muli %arg0, %mul3A : i32
    %add3A = arith.addi %mul3A_0, %arg1 : i32
    %mul3A_1 = arith.constant 10000 : i32
    %mul3A_2 = arith.muli %add3A, %mul3A_1 : i32
    %dma_start3A = arith.constant 0 : i32
    %dma_start3A_3 = tpu.memref_slice %arg2[%dma_start3A, %mul3A_2] : memref<2x320000xi32, #tpu.memory_space<hbm>> -> memref<1x10000xi32, #tpu.memory_space<hbm>>
    %dma_start3A_4 = tpu.memref_squeeze %dma_start3A_3 : memref<1x10000xi32, #tpu.memory_space<hbm>> -> memref<10000xi32, #tpu.memory_space<hbm>>
    %dma_start3A_5 = tpu.memref_slice %arg2[%dma_start3A, %mul3A_2] : memref<2x320000xi32, #tpu.memory_space<hbm>> -> memref<1x10000xi32, #tpu.memory_space<hbm>>
    %dma_start3A_6 = tpu.memref_squeeze %dma_start3A_5 : memref<1x10000xi32, #tpu.memory_space<hbm>> -> memref<10000xi32, #tpu.memory_space<hbm>>
    tpu.enqueue_dma source(%dma_start3A_6 : memref<10000xi32, #tpu.memory_space<hbm>>) target(%arg5 : memref<10000xi32, #tpu.memory_space<vmem>>) target_semaphore(%arg11 : memref<!tpu.dma_semaphore, #tpu.memory_space<semaphore_mem>>)
    %dma_start3A_7 = arith.constant 1 : i32
    %dma_start3A_8 = tpu.memref_slice %arg2[%dma_start3A_7, %mul3A_2] : memref<2x320000xi32, #tpu.memory_space<hbm>> -> memref<1x10000xi32, #tpu.memory_space<hbm>>
    %dma_start3A_9 = tpu.memref_squeeze %dma_start3A_8 : memref<1x10000xi32, #tpu.memory_space<hbm>> -> memref<10000xi32, #tpu.memory_space<hbm>>
    %dma_start3A_10 = tpu.memref_slice %arg2[%dma_start3A_7, %mul3A_2] : memref<2x320000xi32, #tpu.memory_space<hbm>> -> memref<1x10000xi32, #tpu.memory_space<hbm>>
    %dma_start3A_11 = tpu.memref_squeeze %dma_start3A_10 : memref<1x10000xi32, #tpu.memory_space<hbm>> -> memref<10000xi32, #tpu.memory_space<hbm>>
    tpu.enqueue_dma source(%dma_start3A_11 : memref<10000xi32, #tpu.memory_space<hbm>>) target(%arg6 : memref<10000xi32, #tpu.memory_space<vmem>>) target_semaphore(%arg11 : memref<!tpu.dma_semaphore, #tpu.memory_space<semaphore_mem>>)
    %broadcast_in_dim3A = arith.constant 0.000000e+00 : f32
    %broadcast_in_dim3A_12 = vector.broadcast %broadcast_in_dim3A : f32 to vector<16xf32>
    %scan3A = arith.constant 0 : i32
    %scan3A_13 = arith.constant 0 : i32
    %scan3A_14 = arith.constant 640 : i32
    %scan3A_15 = arith.addi %scan3A_13, %scan3A_14 : i32
    %scan3A_16 = arith.constant 1 : i32
    %scan3A_17 = scf.for %scan3A_420 = %scan3A_13 to %scan3A_15 step %scan3A_16 iter_args(%scan3A_421 = %scan3A) -> (i32)  : i32 {
      %jit3A = arith.constant 8 : i32
      %div3A = arith.divsi %scan3A_420, %jit3A : i32
      %sign3A = arith.constant 0 : i32
      %sign3A_422 = arith.cmpi sgt, %scan3A_420, %sign3A : i32
      %sign3A_423 = arith.extui %sign3A_422 : i1 to i32
      %sign3A_424 = arith.constant 0 : i32
      %sign3A_425 = arith.cmpi slt, %scan3A_420, %sign3A_424 : i32
      %sign3A_426 = arith.extui %sign3A_425 : i1 to i32
      %sign3A_427 = arith.subi %sign3A_423, %sign3A_426 : i32
      %sign3A_428 = arith.constant 0 : i32
      %sign3A_429 = arith.cmpi sgt, %jit3A, %sign3A_428 : i32
      %sign3A_430 = arith.extui %sign3A_429 : i1 to i32
      %sign3A_431 = arith.constant 0 : i32
      %sign3A_432 = arith.cmpi slt, %jit3A, %sign3A_431 : i32
      %sign3A_433 = arith.extui %sign3A_432 : i1 to i32
      %sign3A_434 = arith.subi %sign3A_430, %sign3A_433 : i32
      %ne3A = arith.cmpi ne, %sign3A_427, %sign3A_434 : i32
      %rem3A = arith.remsi %scan3A_420, %jit3A : i32
      %ne3A_435 = arith.constant 0 : i32
      %ne3A_436 = arith.cmpi ne, %rem3A, %ne3A_435 : i32
      %and3A = arith.andi %ne3A, %ne3A_436 : i1
      %sub3A = arith.constant 1 : i32
      %sub3A_437 = arith.subi %div3A, %sub3A : i32
      %select_n3A = arith.select %and3A, %sub3A_437, %div3A : i32
      %jit3A_438 = arith.constant 8 : i32
      %eq3A = arith.constant 0 : i32
      %eq3A_439 = arith.cmpi eq, %jit3A_438, %eq3A : i32
      %jit3A_440 = arith.constant 1 : i32
      %select_n3A_441 = arith.select %eq3A_439, %jit3A_440, %jit3A_438 : i32
      %rem3A_442 = arith.remsi %scan3A_420, %select_n3A_441 : i32
      %ne3A_443 = arith.constant 0 : i32
      %ne3A_444 = arith.cmpi ne, %rem3A_442, %ne3A_443 : i32
      %lt3A = arith.constant 0 : i32
      %lt3A_445 = arith.cmpi slt, %rem3A_442, %lt3A : i32
      %lt3A_446 = arith.constant 0 : i32
      %lt3A_447 = arith.cmpi slt, %select_n3A_441, %lt3A_446 : i32
      %ne3A_448 = arith.xori %lt3A_445, %lt3A_447 : i1
      %and3A_449 = arith.andi %ne3A_448, %ne3A_444 : i1
      %add3A_450 = arith.addi %rem3A_442, %select_n3A_441 : i32
      %select_n3A_451 = arith.select %and3A_449, %add3A_450, %rem3A_442 : i32
      %mul3A_452 = arith.constant 16 : i32
      %mul3A_453 = arith.muli %select_n3A_451, %mul3A_452 : i32
      %swap3A = arith.constant 0 : i32
      %swap3A_454 = arith.index_cast %swap3A : i32 to index
      %swap3A_455 = arith.index_cast %select_n3A : i32 to index
      %swap3A_456 = arith.index_cast %mul3A_453 : i32 to index
      %swap3A_457 = tpu.vector_load %arg7[%swap3A_454, %swap3A_455, %swap3A_456] {strides = array<i32>} : memref<2x96x128xf32, #tpu.memory_space<vmem>>, vector<1x1x16xf32>,
      %swap3A_458 = vector.shape_cast %swap3A_457 : vector<1x1x16xf32> to vector<16xf32>
      %swap3A_459 = vector.shape_cast %broadcast_in_dim3A_12 : vector<16xf32> to vector<1x1x16xf32>
      tpu.vector_store %arg7[%swap3A_454, %swap3A_455, %swap3A_456], %swap3A_459 {strides = array<i32>} : memref<2x96x128xf32, #tpu.memory_space<vmem>>, vector<1x1x16xf32>,
      %scan3A_460 = arith.constant 0 : i32
      scf.yield %scan3A_460 : i32
    }
    %scan3A_18 = arith.constant 640 : i32
    %mul3A_19 = arith.constant 640 : i32
    %mul3A_20 = arith.muli %arg1, %mul3A_19 : i32
    %add3A_21 = arith.constant 0 : i32
    %add3A_22 = arith.addi %mul3A_20, %add3A_21 : i32
    %dma_start3A_23 = arith.constant 0 : i32
    %dma_start3A_24 = arith.constant 0 : i32
    %dma_start3A_25 = arith.constant 0 : i32
    %dma_start3A_26 = tpu.memref_slice %arg7[%dma_start3A_23, %dma_start3A_24, %dma_start3A_25] : memref<2x96x128xf32, #tpu.memory_space<vmem>> -> memref<1x96x128xf32, #tpu.memory_space<vmem>>
    %dma_start3A_27 = tpu.memref_squeeze %dma_start3A_26 : memref<1x96x128xf32, #tpu.memory_space<vmem>> -> memref<96x128xf32, #tpu.memory_space<vmem>>
    %dma_start3A_28 = arith.constant 0 : i32
    %dma_start3A_29 = arith.constant 0 : i32
    %dma_start3A_30 = tpu.memref_slice %dma_start3A_27[%dma_start3A_28, %dma_start3A_29] : memref<96x128xf32, #tpu.memory_space<vmem>> -> memref<80x128xf32, #tpu.memory_space<vmem>>
    %dma_start3A_31 = arith.constant 0 : i32
    %dma_start3A_32 = tpu.memref_slice %arg8[%add3A_22, %dma_start3A_31] : memref<10240x128xf32, #tpu.memory_space<vmem_shared>> -> memref<80x128xf32, #tpu.memory_space<vmem_shared>>
    %dma_start3A_33 = arith.constant 0 : i32
    %dma_start3A_34 = tpu.memref_slice %arg8[%add3A_22, %dma_start3A_33] : memref<10240x128xf32, #tpu.memory_space<vmem_shared>> -> memref<80x128xf32, #tpu.memory_space<vmem_shared>>
    %dma_start3A_35 = arith.constant 0 : i32
    %dma_start3A_36 = arith.constant 0 : i32
    %dma_start3A_37 = tpu.memref_slice %arg7[%dma_start3A_23, %dma_start3A_35, %dma_start3A_36] : memref<2x96x128xf32, #tpu.memory_space<vmem>> -> memref<1x96x128xf32, #tpu.memory_space<vmem>>
    %dma_start3A_38 = tpu.memref_squeeze %dma_start3A_37 : memref<1x96x128xf32, #tpu.memory_space<vmem>> -> memref<96x128xf32, #tpu.memory_space<vmem>>
    %dma_start3A_39 = arith.constant 0 : i32
    %dma_start3A_40 = arith.constant 0 : i32
    %dma_start3A_41 = tpu.memref_slice %dma_start3A_38[%dma_start3A_39, %dma_start3A_40] : memref<96x128xf32, #tpu.memory_space<vmem>> -> memref<80x128xf32, #tpu.memory_space<vmem>>
    tpu.enqueue_dma source(%dma_start3A_41 : memref<80x128xf32, #tpu.memory_space<vmem>>) target(%dma_start3A_34 : memref<80x128xf32, #tpu.memory_space<vmem_shared>>) target_semaphore(%arg11 : memref<!tpu.dma_semaphore, #tpu.memory_space<semaphore_mem>>)
    %add3A_42 = arith.constant 80 : i32
    %add3A_43 = arith.addi %mul3A_20, %add3A_42 : i32
    %dma_start3A_44 = arith.constant 0 : i32
    %dma_start3A_45 = arith.constant 0 : i32
    %dma_start3A_46 = arith.constant 0 : i32
    %dma_start3A_47 = tpu.memref_slice %arg7[%dma_start3A_44, %dma_start3A_45, %dma_start3A_46] : memref<2x96x128xf32, #tpu.memory_space<vmem>> -> memref<1x96x128xf32, #tpu.memory_space<vmem>>
    %dma_start3A_48 = tpu.memref_squeeze %dma_start3A_47 : memref<1x96x128xf32, #tpu.memory_space<vmem>> -> memref<96x128xf32, #tpu.memory_space<vmem>>
    %dma_start3A_49 = arith.constant 0 : i32
    %dma_start3A_50 = arith.constant 0 : i32
    %dma_start3A_51 = tpu.memref_slice %dma_start3A_48[%dma_start3A_49, %dma_start3A_50] : memref<96x128xf32, #tpu.memory_space<vmem>> -> memref<80x128xf32, #tpu.memory_space<vmem>>
    %dma_start3A_52 = arith.constant 0 : i32
    %dma_start3A_53 = tpu.memref_slice %arg8[%add3A_43, %dma_start3A_52] : memref<10240x128xf32, #tpu.memory_space<vmem_shared>> -> memref<80x128xf32, #tpu.memory_space<vmem_shared>>
    %dma_start3A_54 = arith.constant 0 : i32
    %dma_start3A_55 = tpu.memref_slice %arg8[%add3A_43, %dma_start3A_54] : memref<10240x128xf32, #tpu.memory_space<vmem_shared>> -> memref<80x128xf32, #tpu.memory_space<vmem_shared>>
    %dma_start3A_56 = arith.constant 0 : i32
    %dma_start3A_57 = arith.constant 0 : i32
    %dma_start3A_58 = tpu.memref_slice %arg7[%dma_start3A_44, %dma_start3A_56, %dma_start3A_57] : memref<2x96x128xf32, #tpu.memory_space<vmem>> -> memref<1x96x128xf32, #tpu.memory_space<vmem>>
    %dma_start3A_59 = tpu.memref_squeeze %dma_start3A_58 : memref<1x96x128xf32, #tpu.memory_space<vmem>> -> memref<96x128xf32, #tpu.memory_space<vmem>>
    %dma_start3A_60 = arith.constant 0 : i32
    %dma_start3A_61 = arith.constant 0 : i32
    %dma_start3A_62 = tpu.memref_slice %dma_start3A_59[%dma_start3A_60, %dma_start3A_61] : memref<96x128xf32, #tpu.memory_space<vmem>> -> memref<80x128xf32, #tpu.memory_space<vmem>>
    tpu.enqueue_dma source(%dma_start3A_62 : memref<80x128xf32, #tpu.memory_space<vmem>>) target(%dma_start3A_55 : memref<80x128xf32, #tpu.memory_space<vmem_shared>>) target_semaphore(%arg11 : memref<!tpu.dma_semaphore, #tpu.memory_space<semaphore_mem>>)
    %add3A_63 = arith.constant 160 : i32
    %add3A_64 = arith.addi %mul3A_20, %add3A_63 : i32
    %dma_start3A_65 = arith.constant 0 : i32
    %dma_start3A_66 = arith.constant 0 : i32
    %dma_start3A_67 = arith.constant 0 : i32
    %dma_start3A_68 = tpu.memref_slice %arg7[%dma_start3A_65, %dma_start3A_66, %dma_start3A_67] : memref<2x96x128xf32, #tpu.memory_space<vmem>> -> memref<1x96x128xf32, #tpu.memory_space<vmem>>
    %dma_start3A_69 = tpu.memref_squeeze %dma_start3A_68 : memref<1x96x128xf32, #tpu.memory_space<vmem>> -> memref<96x128xf32, #tpu.memory_space<vmem>>
    %dma_start3A_70 = arith.constant 0 : i32
    %dma_start3A_71 = arith.constant 0 : i32
    %dma_start3A_72 = tpu.memref_slice %dma_start3A_69[%dma_start3A_70, %dma_start3A_71] : memref<96x128xf32, #tpu.memory_space<vmem>> -> memref<80x128xf32, #tpu.memory_space<vmem>>
    %dma_start3A_73 = arith.constant 0 : i32
    %dma_start3A_74 = tpu.memref_slice %arg8[%add3A_64, %dma_start3A_73] : memref<10240x128xf32, #tpu.memory_space<vmem_shared>> -> memref<80x128xf32, #tpu.memory_space<vmem_shared>>
    %dma_start3A_75 = arith.constant 0 : i32
    %dma_start3A_76 = tpu.memref_slice %arg8[%add3A_64, %dma_start3A_75] : memref<10240x128xf32, #tpu.memory_space<vmem_shared>> -> memref<80x128xf32, #tpu.memory_space<vmem_shared>>
    %dma_start3A_77 = arith.constant 0 : i32
    %dma_start3A_78 = arith.constant 0 : i32
    %dma_start3A_79 = tpu.memref_slice %arg7[%dma_start3A_65, %dma_start3A_77, %dma_start3A_78] : memref<2x96x128xf32, #tpu.memory_space<vmem>> -> memref<1x96x128xf32, #tpu.memory_space<vmem>>
    %dma_start3A_80 = tpu.memref_squeeze %dma_start3A_79 : memref<1x96x128xf32, #tpu.memory_space<vmem>> -> memref<96x128xf32, #tpu.memory_space<vmem>>
    %dma_start3A_81 = arith.constant 0 : i32
    %dma_start3A_82 = arith.constant 0 : i32
    %dma_start3A_83 = tpu.memref_slice %dma_start3A_80[%dma_start3A_81, %dma_start3A_82] : memref<96x128xf32, #tpu.memory_space<vmem>> -> memref<80x128xf32, #tpu.memory_space<vmem>>
    tpu.enqueue_dma source(%dma_start3A_83 : memref<80x128xf32, #tpu.memory_space<vmem>>) target(%dma_start3A_76 : memref<80x128xf32, #tpu.memory_space<vmem_shared>>) target_semaphore(%arg11 : memref<!tpu.dma_semaphore, #tpu.memory_space<semaphore_mem>>)
    %add3A_84 = arith.constant 240 : i32
    %add3A_85 = arith.addi %mul3A_20, %add3A_84 : i32
    %dma_start3A_86 = arith.constant 0 : i32
    %dma_start3A_87 = arith.constant 0 : i32
    %dma_start3A_88 = arith.constant 0 : i32
    %dma_start3A_89 = tpu.memref_slice %arg7[%dma_start3A_86, %dma_start3A_87, %dma_start3A_88] : memref<2x96x128xf32, #tpu.memory_space<vmem>> -> memref<1x96x128xf32, #tpu.memory_space<vmem>>
    %dma_start3A_90 = tpu.memref_squeeze %dma_start3A_89 : memref<1x96x128xf32, #tpu.memory_space<vmem>> -> memref<96x128xf32, #tpu.memory_space<vmem>>
    %dma_start3A_91 = arith.constant 0 : i32
    %dma_start3A_92 = arith.constant 0 : i32
    %dma_start3A_93 = tpu.memref_slice %dma_start3A_90[%dma_start3A_91, %dma_start3A_92] : memref<96x128xf32, #tpu.memory_space<vmem>> -> memref<80x128xf32, #tpu.memory_space<vmem>>
    %dma_start3A_94 = arith.constant 0 : i32
    %dma_start3A_95 = tpu.memref_slice %arg8[%add3A_85, %dma_start3A_94] : memref<10240x128xf32, #tpu.memory_space<vmem_shared>> -> memref<80x128xf32, #tpu.memory_space<vmem_shared>>
    %dma_start3A_96 = arith.constant 0 : i32
    %dma_start3A_97 = tpu.memref_slice %arg8[%add3A_85, %dma_start3A_96] : memref<10240x128xf32, #tpu.memory_space<vmem_shared>> -> memref<80x128xf32, #tpu.memory_space<vmem_shared>>
    %dma_start3A_98 = arith.constant 0 : i32
    %dma_start3A_99 = arith.constant 0 : i32
    %dma_start3A_100 = tpu.memref_slice %arg7[%dma_start3A_86, %dma_start3A_98, %dma_start3A_99] : memref<2x96x128xf32, #tpu.memory_space<vmem>> -> memref<1x96x128xf32, #tpu.memory_space<vmem>>
    %dma_start3A_101 = tpu.memref_squeeze %dma_start3A_100 : memref<1x96x128xf32, #tpu.memory_space<vmem>> -> memref<96x128xf32, #tpu.memory_space<vmem>>
    %dma_start3A_102 = arith.constant 0 : i32
    %dma_start3A_103 = arith.constant 0 : i32
    %dma_start3A_104 = tpu.memref_slice %dma_start3A_101[%dma_start3A_102, %dma_start3A_103] : memref<96x128xf32, #tpu.memory_space<vmem>> -> memref<80x128xf32, #tpu.memory_space<vmem>>
    tpu.enqueue_dma source(%dma_start3A_104 : memref<80x128xf32, #tpu.memory_space<vmem>>) target(%dma_start3A_97 : memref<80x128xf32, #tpu.memory_space<vmem_shared>>) target_semaphore(%arg11 : memref<!tpu.dma_semaphore, #tpu.memory_space<semaphore_mem>>)
    %add3A_105 = arith.constant 320 : i32
    %add3A_106 = arith.addi %mul3A_20, %add3A_105 : i32
    %dma_start3A_107 = arith.constant 0 : i32
    %dma_start3A_108 = arith.constant 0 : i32
    %dma_start3A_109 = arith.constant 0 : i32
    %dma_start3A_110 = tpu.memref_slice %arg7[%dma_start3A_107, %dma_start3A_108, %dma_start3A_109] : memref<2x96x128xf32, #tpu.memory_space<vmem>> -> memref<1x96x128xf32, #tpu.memory_space<vmem>>
    %dma_start3A_111 = tpu.memref_squeeze %dma_start3A_110 : memref<1x96x128xf32, #tpu.memory_space<vmem>> -> memref<96x128xf32, #tpu.memory_space<vmem>>
    %dma_start3A_112 = arith.constant 0 : i32
    %dma_start3A_113 = arith.constant 0 : i32
    %dma_start3A_114 = tpu.memref_slice %dma_start3A_111[%dma_start3A_112, %dma_start3A_113] : memref<96x128xf32, #tpu.memory_space<vmem>> -> memref<80x128xf32, #tpu.memory_space<vmem>>
    %dma_start3A_115 = arith.constant 0 : i32
    %dma_start3A_116 = tpu.memref_slice %arg8[%add3A_106, %dma_start3A_115] : memref<10240x128xf32, #tpu.memory_space<vmem_shared>> -> memref<80x128xf32, #tpu.memory_space<vmem_shared>>
    %dma_start3A_117 = arith.constant 0 : i32
    %dma_start3A_118 = tpu.memref_slice %arg8[%add3A_106, %dma_start3A_117] : memref<10240x128xf32, #tpu.memory_space<vmem_shared>> -> memref<80x128xf32, #tpu.memory_space<vmem_shared>>
    %dma_start3A_119 = arith.constant 0 : i32
    %dma_start3A_120 = arith.constant 0 : i32
    %dma_start3A_121 = tpu.memref_slice %arg7[%dma_start3A_107, %dma_start3A_119, %dma_start3A_120] : memref<2x96x128xf32, #tpu.memory_space<vmem>> -> memref<1x96x128xf32, #tpu.memory_space<vmem>>
    %dma_start3A_122 = tpu.memref_squeeze %dma_start3A_121 : memref<1x96x128xf32, #tpu.memory_space<vmem>> -> memref<96x128xf32, #tpu.memory_space<vmem>>
    %dma_start3A_123 = arith.constant 0 : i32
    %dma_start3A_124 = arith.constant 0 : i32
    %dma_start3A_125 = tpu.memref_slice %dma_start3A_122[%dma_start3A_123, %dma_start3A_124] : memref<96x128xf32, #tpu.memory_space<vmem>> -> memref<80x128xf32, #tpu.memory_space<vmem>>
    tpu.enqueue_dma source(%dma_start3A_125 : memref<80x128xf32, #tpu.memory_space<vmem>>) target(%dma_start3A_118 : memref<80x128xf32, #tpu.memory_space<vmem_shared>>) target_semaphore(%arg11 : memref<!tpu.dma_semaphore, #tpu.memory_space<semaphore_mem>>)
    %add3A_126 = arith.constant 400 : i32
    %add3A_127 = arith.addi %mul3A_20, %add3A_126 : i32
    %dma_start3A_128 = arith.constant 0 : i32
    %dma_start3A_129 = arith.constant 0 : i32
    %dma_start3A_130 = arith.constant 0 : i32
    %dma_start3A_131 = tpu.memref_slice %arg7[%dma_start3A_128, %dma_start3A_129, %dma_start3A_130] : memref<2x96x128xf32, #tpu.memory_space<vmem>> -> memref<1x96x128xf32, #tpu.memory_space<vmem>>
    %dma_start3A_132 = tpu.memref_squeeze %dma_start3A_131 : memref<1x96x128xf32, #tpu.memory_space<vmem>> -> memref<96x128xf32, #tpu.memory_space<vmem>>
    %dma_start3A_133 = arith.constant 0 : i32
    %dma_start3A_134 = arith.constant 0 : i32
    %dma_start3A_135 = tpu.memref_slice %dma_start3A_132[%dma_start3A_133, %dma_start3A_134] : memref<96x128xf32, #tpu.memory_space<vmem>> -> memref<80x128xf32, #tpu.memory_space<vmem>>
    %dma_start3A_136 = arith.constant 0 : i32
    %dma_start3A_137 = tpu.memref_slice %arg8[%add3A_127, %dma_start3A_136] : memref<10240x128xf32, #tpu.memory_space<vmem_shared>> -> memref<80x128xf32, #tpu.memory_space<vmem_shared>>
    %dma_start3A_138 = arith.constant 0 : i32
    %dma_start3A_139 = tpu.memref_slice %arg8[%add3A_127, %dma_start3A_138] : memref<10240x128xf32, #tpu.memory_space<vmem_shared>> -> memref<80x128xf32, #tpu.memory_space<vmem_shared>>
    %dma_start3A_140 = arith.constant 0 : i32
    %dma_start3A_141 = arith.constant 0 : i32
    %dma_start3A_142 = tpu.memref_slice %arg7[%dma_start3A_128, %dma_start3A_140, %dma_start3A_141] : memref<2x96x128xf32, #tpu.memory_space<vmem>> -> memref<1x96x128xf32, #tpu.memory_space<vmem>>
    %dma_start3A_143 = tpu.memref_squeeze %dma_start3A_142 : memref<1x96x128xf32, #tpu.memory_space<vmem>> -> memref<96x128xf32, #tpu.memory_space<vmem>>
    %dma_start3A_144 = arith.constant 0 : i32
    %dma_start3A_145 = arith.constant 0 : i32
    %dma_start3A_146 = tpu.memref_slice %dma_start3A_143[%dma_start3A_144, %dma_start3A_145] : memref<96x128xf32, #tpu.memory_space<vmem>> -> memref<80x128xf32, #tpu.memory_space<vmem>>
    tpu.enqueue_dma source(%dma_start3A_146 : memref<80x128xf32, #tpu.memory_space<vmem>>) target(%dma_start3A_139 : memref<80x128xf32, #tpu.memory_space<vmem_shared>>) target_semaphore(%arg11 : memref<!tpu.dma_semaphore, #tpu.memory_space<semaphore_mem>>)
    %add3A_147 = arith.constant 480 : i32
    %add3A_148 = arith.addi %mul3A_20, %add3A_147 : i32
    %dma_start3A_149 = arith.constant 0 : i32
    %dma_start3A_150 = arith.constant 0 : i32
    %dma_start3A_151 = arith.constant 0 : i32
    %dma_start3A_152 = tpu.memref_slice %arg7[%dma_start3A_149, %dma_start3A_150, %dma_start3A_151] : memref<2x96x128xf32, #tpu.memory_space<vmem>> -> memref<1x96x128xf32, #tpu.memory_space<vmem>>
    %dma_start3A_153 = tpu.memref_squeeze %dma_start3A_152 : memref<1x96x128xf32, #tpu.memory_space<vmem>> -> memref<96x128xf32, #tpu.memory_space<vmem>>
    %dma_start3A_154 = arith.constant 0 : i32
    %dma_start3A_155 = arith.constant 0 : i32
    %dma_start3A_156 = tpu.memref_slice %dma_start3A_153[%dma_start3A_154, %dma_start3A_155] : memref<96x128xf32, #tpu.memory_space<vmem>> -> memref<80x128xf32, #tpu.memory_space<vmem>>
    %dma_start3A_157 = arith.constant 0 : i32
    %dma_start3A_158 = tpu.memref_slice %arg8[%add3A_148, %dma_start3A_157] : memref<10240x128xf32, #tpu.memory_space<vmem_shared>> -> memref<80x128xf32, #tpu.memory_space<vmem_shared>>
    %dma_start3A_159 = arith.constant 0 : i32
    %dma_start3A_160 = tpu.memref_slice %arg8[%add3A_148, %dma_start3A_159] : memref<10240x128xf32, #tpu.memory_space<vmem_shared>> -> memref<80x128xf32, #tpu.memory_space<vmem_shared>>
    %dma_start3A_161 = arith.constant 0 : i32
    %dma_start3A_162 = arith.constant 0 : i32
    %dma_start3A_163 = tpu.memref_slice %arg7[%dma_start3A_149, %dma_start3A_161, %dma_start3A_162] : memref<2x96x128xf32, #tpu.memory_space<vmem>> -> memref<1x96x128xf32, #tpu.memory_space<vmem>>
    %dma_start3A_164 = tpu.memref_squeeze %dma_start3A_163 : memref<1x96x128xf32, #tpu.memory_space<vmem>> -> memref<96x128xf32, #tpu.memory_space<vmem>>
    %dma_start3A_165 = arith.constant 0 : i32
    %dma_start3A_166 = arith.constant 0 : i32
    %dma_start3A_167 = tpu.memref_slice %dma_start3A_164[%dma_start3A_165, %dma_start3A_166] : memref<96x128xf32, #tpu.memory_space<vmem>> -> memref<80x128xf32, #tpu.memory_space<vmem>>
    tpu.enqueue_dma source(%dma_start3A_167 : memref<80x128xf32, #tpu.memory_space<vmem>>) target(%dma_start3A_160 : memref<80x128xf32, #tpu.memory_space<vmem_shared>>) target_semaphore(%arg11 : memref<!tpu.dma_semaphore, #tpu.memory_space<semaphore_mem>>)
    %add3A_168 = arith.constant 560 : i32
    %add3A_169 = arith.addi %mul3A_20, %add3A_168 : i32
    %dma_start3A_170 = arith.constant 0 : i32
    %dma_start3A_171 = arith.constant 0 : i32
    %dma_start3A_172 = arith.constant 0 : i32
    %dma_start3A_173 = tpu.memref_slice %arg7[%dma_start3A_170, %dma_start3A_171, %dma_start3A_172] : memref<2x96x128xf32, #tpu.memory_space<vmem>> -> memref<1x96x128xf32, #tpu.memory_space<vmem>>
    %dma_start3A_174 = tpu.memref_squeeze %dma_start3A_173 : memref<1x96x128xf32, #tpu.memory_space<vmem>> -> memref<96x128xf32, #tpu.memory_space<vmem>>
    %dma_start3A_175 = arith.constant 0 : i32
    %dma_start3A_176 = arith.constant 0 : i32
    %dma_start3A_177 = tpu.memref_slice %dma_start3A_174[%dma_start3A_175, %dma_start3A_176] : memref<96x128xf32, #tpu.memory_space<vmem>> -> memref<80x128xf32, #tpu.memory_space<vmem>>
    %dma_start3A_178 = arith.constant 0 : i32
    %dma_start3A_179 = tpu.memref_slice %arg8[%add3A_169, %dma_start3A_178] : memref<10240x128xf32, #tpu.memory_space<vmem_shared>> -> memref<80x128xf32, #tpu.memory_space<vmem_shared>>
    %dma_start3A_180 = arith.constant 0 : i32
    %dma_start3A_181 = tpu.memref_slice %arg8[%add3A_169, %dma_start3A_180] : memref<10240x128xf32, #tpu.memory_space<vmem_shared>> -> memref<80x128xf32, #tpu.memory_space<vmem_shared>>
    %dma_start3A_182 = arith.constant 0 : i32
    %dma_start3A_183 = arith.constant 0 : i32
    %dma_start3A_184 = tpu.memref_slice %arg7[%dma_start3A_170, %dma_start3A_182, %dma_start3A_183] : memref<2x96x128xf32, #tpu.memory_space<vmem>> -> memref<1x96x128xf32, #tpu.memory_space<vmem>>
    %dma_start3A_185 = tpu.memref_squeeze %dma_start3A_184 : memref<1x96x128xf32, #tpu.memory_space<vmem>> -> memref<96x128xf32, #tpu.memory_space<vmem>>
    %dma_start3A_186 = arith.constant 0 : i32
    %dma_start3A_187 = arith.constant 0 : i32
    %dma_start3A_188 = tpu.memref_slice %dma_start3A_185[%dma_start3A_186, %dma_start3A_187] : memref<96x128xf32, #tpu.memory_space<vmem>> -> memref<80x128xf32, #tpu.memory_space<vmem>>
    tpu.enqueue_dma source(%dma_start3A_188 : memref<80x128xf32, #tpu.memory_space<vmem>>) target(%dma_start3A_181 : memref<80x128xf32, #tpu.memory_space<vmem_shared>>) target_semaphore(%arg11 : memref<!tpu.dma_semaphore, #tpu.memory_space<semaphore_mem>>)
    %add3A_189 = arith.constant 0 : i32
    %add3A_190 = arith.addi %mul3A_20, %add3A_189 : i32
    %dma_wait3A = arith.constant 0 : i32
    %dma_wait3A_191 = arith.constant 0 : i32
    %dma_wait3A_192 = arith.constant 0 : i32
    %dma_wait3A_193 = tpu.memref_slice %arg7[%dma_wait3A, %dma_wait3A_191, %dma_wait3A_192] : memref<2x96x128xf32, #tpu.memory_space<vmem>> -> memref<1x96x128xf32, #tpu.memory_space<vmem>>
    %dma_wait3A_194 = tpu.memref_squeeze %dma_wait3A_193 : memref<1x96x128xf32, #tpu.memory_space<vmem>> -> memref<96x128xf32, #tpu.memory_space<vmem>>
    %dma_wait3A_195 = arith.constant 0 : i32
    %dma_wait3A_196 = arith.constant 0 : i32
    %dma_wait3A_197 = tpu.memref_slice %dma_wait3A_194[%dma_wait3A_195, %dma_wait3A_196] : memref<96x128xf32, #tpu.memory_space<vmem>> -> memref<80x128xf32, #tpu.memory_space<vmem>>
    %dma_wait3A_198 = arith.constant 0 : i32
    %dma_wait3A_199 = tpu.memref_slice %arg8[%add3A_190, %dma_wait3A_198] : memref<10240x128xf32, #tpu.memory_space<vmem_shared>> -> memref<80x128xf32, #tpu.memory_space<vmem_shared>>
    %dma_wait3A_200 = arith.constant 0 : i32
    %dma_wait3A_201 = tpu.memref_slice %arg8[%add3A_190, %dma_wait3A_200] : memref<10240x128xf32, #tpu.memory_space<vmem_shared>> -> memref<80x128xf32, #tpu.memory_space<vmem_shared>>
    %dma_wait3A_202 = arith.constant 0 : i32
    %dma_wait3A_203 = arith.constant 0 : i32
    %dma_wait3A_204 = tpu.memref_slice %arg7[%dma_wait3A, %dma_wait3A_202, %dma_wait3A_203] : memref<2x96x128xf32, #tpu.memory_space<vmem>> -> memref<1x96x128xf32, #tpu.memory_space<vmem>>
    %dma_wait3A_205 = tpu.memref_squeeze %dma_wait3A_204 : memref<1x96x128xf32, #tpu.memory_space<vmem>> -> memref<96x128xf32, #tpu.memory_space<vmem>>
    %dma_wait3A_206 = arith.constant 0 : i32
    %dma_wait3A_207 = arith.constant 0 : i32
    %dma_wait3A_208 = tpu.memref_slice %dma_wait3A_205[%dma_wait3A_206, %dma_wait3A_207] : memref<96x128xf32, #tpu.memory_space<vmem>> -> memref<80x128xf32, #tpu.memory_space<vmem>>
    tpu.wait_dma2 semaphore(%arg11 : memref<!tpu.dma_semaphore, #tpu.memory_space<semaphore_mem>>) src(%dma_wait3A_208 : memref<80x128xf32, #tpu.memory_space<vmem>>) dst(%dma_wait3A_201 : memref<80x128xf32, #tpu.memory_space<vmem_shared>>)
    %add3A_209 = arith.constant 80 : i32
    %add3A_210 = arith.addi %mul3A_20, %add3A_209 : i32
    %dma_wait3A_211 = arith.constant 0 : i32
    %dma_wait3A_212 = arith.constant 0 : i32
    %dma_wait3A_213 = arith.constant 0 : i32
    %dma_wait3A_214 = tpu.memref_slice %arg7[%dma_wait3A_211, %dma_wait3A_212, %dma_wait3A_213] : memref<2x96x128xf32, #tpu.memory_space<vmem>> -> memref<1x96x128xf32, #tpu.memory_space<vmem>>
    %dma_wait3A_215 = tpu.memref_squeeze %dma_wait3A_214 : memref<1x96x128xf32, #tpu.memory_space<vmem>> -> memref<96x128xf32, #tpu.memory_space<vmem>>
    %dma_wait3A_216 = arith.constant 0 : i32
    %dma_wait3A_217 = arith.constant 0 : i32
    %dma_wait3A_218 = tpu.memref_slice %dma_wait3A_215[%dma_wait3A_216, %dma_wait3A_217] : memref<96x128xf32, #tpu.memory_space<vmem>> -> memref<80x128xf32, #tpu.memory_space<vmem>>
    %dma_wait3A_219 = arith.constant 0 : i32
    %dma_wait3A_220 = tpu.memref_slice %arg8[%add3A_210, %dma_wait3A_219] : memref<10240x128xf32, #tpu.memory_space<vmem_shared>> -> memref<80x128xf32, #tpu.memory_space<vmem_shared>>
    %dma_wait3A_221 = arith.constant 0 : i32
    %dma_wait3A_222 = tpu.memref_slice %arg8[%add3A_210, %dma_wait3A_221] : memref<10240x128xf32, #tpu.memory_space<vmem_shared>> -> memref<80x128xf32, #tpu.memory_space<vmem_shared>>
    %dma_wait3A_223 = arith.constant 0 : i32
    %dma_wait3A_224 = arith.constant 0 : i32
    %dma_wait3A_225 = tpu.memref_slice %arg7[%dma_wait3A_211, %dma_wait3A_223, %dma_wait3A_224] : memref<2x96x128xf32, #tpu.memory_space<vmem>> -> memref<1x96x128xf32, #tpu.memory_space<vmem>>
    %dma_wait3A_226 = tpu.memref_squeeze %dma_wait3A_225 : memref<1x96x128xf32, #tpu.memory_space<vmem>> -> memref<96x128xf32, #tpu.memory_space<vmem>>
    %dma_wait3A_227 = arith.constant 0 : i32
    %dma_wait3A_228 = arith.constant 0 : i32
    %dma_wait3A_229 = tpu.memref_slice %dma_wait3A_226[%dma_wait3A_227, %dma_wait3A_228] : memref<96x128xf32, #tpu.memory_space<vmem>> -> memref<80x128xf32, #tpu.memory_space<vmem>>
    tpu.wait_dma2 semaphore(%arg11 : memref<!tpu.dma_semaphore, #tpu.memory_space<semaphore_mem>>) src(%dma_wait3A_229 : memref<80x128xf32, #tpu.memory_space<vmem>>) dst(%dma_wait3A_222 : memref<80x128xf32, #tpu.memory_space<vmem_shared>>)
    %add3A_230 = arith.constant 160 : i32
    %add3A_231 = arith.addi %mul3A_20, %add3A_230 : i32
    %dma_wait3A_232 = arith.constant 0 : i32
    %dma_wait3A_233 = arith.constant 0 : i32
    %dma_wait3A_234 = arith.constant 0 : i32
    %dma_wait3A_235 = tpu.memref_slice %arg7[%dma_wait3A_232, %dma_wait3A_233, %dma_wait3A_234] : memref<2x96x128xf32, #tpu.memory_space<vmem>> -> memref<1x96x128xf32, #tpu.memory_space<vmem>>
    %dma_wait3A_236 = tpu.memref_squeeze %dma_wait3A_235 : memref<1x96x128xf32, #tpu.memory_space<vmem>> -> memref<96x128xf32, #tpu.memory_space<vmem>>
    %dma_wait3A_237 = arith.constant 0 : i32
    %dma_wait3A_238 = arith.constant 0 : i32
    %dma_wait3A_239 = tpu.memref_slice %dma_wait3A_236[%dma_wait3A_237, %dma_wait3A_238] : memref<96x128xf32, #tpu.memory_space<vmem>> -> memref<80x128xf32, #tpu.memory_space<vmem>>
    %dma_wait3A_240 = arith.constant 0 : i32
    %dma_wait3A_241 = tpu.memref_slice %arg8[%add3A_231, %dma_wait3A_240] : memref<10240x128xf32, #tpu.memory_space<vmem_shared>> -> memref<80x128xf32, #tpu.memory_space<vmem_shared>>
    %dma_wait3A_242 = arith.constant 0 : i32
    %dma_wait3A_243 = tpu.memref_slice %arg8[%add3A_231, %dma_wait3A_242] : memref<10240x128xf32, #tpu.memory_space<vmem_shared>> -> memref<80x128xf32, #tpu.memory_space<vmem_shared>>
    %dma_wait3A_244 = arith.constant 0 : i32
    %dma_wait3A_245 = arith.constant 0 : i32
    %dma_wait3A_246 = tpu.memref_slice %arg7[%dma_wait3A_232, %dma_wait3A_244, %dma_wait3A_245] : memref<2x96x128xf32, #tpu.memory_space<vmem>> -> memref<1x96x128xf32, #tpu.memory_space<vmem>>
    %dma_wait3A_247 = tpu.memref_squeeze %dma_wait3A_246 : memref<1x96x128xf32, #tpu.memory_space<vmem>> -> memref<96x128xf32, #tpu.memory_space<vmem>>
    %dma_wait3A_248 = arith.constant 0 : i32
    %dma_wait3A_249 = arith.constant 0 : i32
    %dma_wait3A_250 = tpu.memref_slice %dma_wait3A_247[%dma_wait3A_248, %dma_wait3A_249] : memref<96x128xf32, #tpu.memory_space<vmem>> -> memref<80x128xf32, #tpu.memory_space<vmem>>
    tpu.wait_dma2 semaphore(%arg11 : memref<!tpu.dma_semaphore, #tpu.memory_space<semaphore_mem>>) src(%dma_wait3A_250 : memref<80x128xf32, #tpu.memory_space<vmem>>) dst(%dma_wait3A_243 : memref<80x128xf32, #tpu.memory_space<vmem_shared>>)
    %add3A_251 = arith.constant 240 : i32
    %add3A_252 = arith.addi %mul3A_20, %add3A_251 : i32
    %dma_wait3A_253 = arith.constant 0 : i32
    %dma_wait3A_254 = arith.constant 0 : i32
    %dma_wait3A_255 = arith.constant 0 : i32
    %dma_wait3A_256 = tpu.memref_slice %arg7[%dma_wait3A_253, %dma_wait3A_254, %dma_wait3A_255] : memref<2x96x128xf32, #tpu.memory_space<vmem>> -> memref<1x96x128xf32, #tpu.memory_space<vmem>>
    %dma_wait3A_257 = tpu.memref_squeeze %dma_wait3A_256 : memref<1x96x128xf32, #tpu.memory_space<vmem>> -> memref<96x128xf32, #tpu.memory_space<vmem>>
    %dma_wait3A_258 = arith.constant 0 : i32
    %dma_wait3A_259 = arith.constant 0 : i32
    %dma_wait3A_260 = tpu.memref_slice %dma_wait3A_257[%dma_wait3A_258, %dma_wait3A_259] : memref<96x128xf32, #tpu.memory_space<vmem>> -> memref<80x128xf32, #tpu.memory_space<vmem>>
    %dma_wait3A_261 = arith.constant 0 : i32
    %dma_wait3A_262 = tpu.memref_slice %arg8[%add3A_252, %dma_wait3A_261] : memref<10240x128xf32, #tpu.memory_space<vmem_shared>> -> memref<80x128xf32, #tpu.memory_space<vmem_shared>>
    %dma_wait3A_263 = arith.constant 0 : i32
    %dma_wait3A_264 = tpu.memref_slice %arg8[%add3A_252, %dma_wait3A_263] : memref<10240x128xf32, #tpu.memory_space<vmem_shared>> -> memref<80x128xf32, #tpu.memory_space<vmem_shared>>
    %dma_wait3A_265 = arith.constant 0 : i32
    %dma_wait3A_266 = arith.constant 0 : i32
    %dma_wait3A_267 = tpu.memref_slice %arg7[%dma_wait3A_253, %dma_wait3A_265, %dma_wait3A_266] : memref<2x96x128xf32, #tpu.memory_space<vmem>> -> memref<1x96x128xf32, #tpu.memory_space<vmem>>
    %dma_wait3A_268 = tpu.memref_squeeze %dma_wait3A_267 : memref<1x96x128xf32, #tpu.memory_space<vmem>> -> memref<96x128xf32, #tpu.memory_space<vmem>>
    %dma_wait3A_269 = arith.constant 0 : i32
    %dma_wait3A_270 = arith.constant 0 : i32
    %dma_wait3A_271 = tpu.memref_slice %dma_wait3A_268[%dma_wait3A_269, %dma_wait3A_270] : memref<96x128xf32, #tpu.memory_space<vmem>> -> memref<80x128xf32, #tpu.memory_space<vmem>>
    tpu.wait_dma2 semaphore(%arg11 : memref<!tpu.dma_semaphore, #tpu.memory_space<semaphore_mem>>) src(%dma_wait3A_271 : memref<80x128xf32, #tpu.memory_space<vmem>>) dst(%dma_wait3A_264 : memref<80x128xf32, #tpu.memory_space<vmem_shared>>)
    %add3A_272 = arith.constant 320 : i32
    %add3A_273 = arith.addi %mul3A_20, %add3A_272 : i32
    %dma_wait3A_274 = arith.constant 0 : i32
    %dma_wait3A_275 = arith.constant 0 : i32
    %dma_wait3A_276 = arith.constant 0 : i32
    %dma_wait3A_277 = tpu.memref_slice %arg7[%dma_wait3A_274, %dma_wait3A_275, %dma_wait3A_276] : memref<2x96x128xf32, #tpu.memory_space<vmem>> -> memref<1x96x128xf32, #tpu.memory_space<vmem>>
    %dma_wait3A_278 = tpu.memref_squeeze %dma_wait3A_277 : memref<1x96x128xf32, #tpu.memory_space<vmem>> -> memref<96x128xf32, #tpu.memory_space<vmem>>
    %dma_wait3A_279 = arith.constant 0 : i32
    %dma_wait3A_280 = arith.constant 0 : i32
    %dma_wait3A_281 = tpu.memref_slice %dma_wait3A_278[%dma_wait3A_279, %dma_wait3A_280] : memref<96x128xf32, #tpu.memory_space<vmem>> -> memref<80x128xf32, #tpu.memory_space<vmem>>
    %dma_wait3A_282 = arith.constant 0 : i32
    %dma_wait3A_283 = tpu.memref_slice %arg8[%add3A_273, %dma_wait3A_282] : memref<10240x128xf32, #tpu.memory_space<vmem_shared>> -> memref<80x128xf32, #tpu.memory_space<vmem_shared>>
    %dma_wait3A_284 = arith.constant 0 : i32
    %dma_wait3A_285 = tpu.memref_slice %arg8[%add3A_273, %dma_wait3A_284] : memref<10240x128xf32, #tpu.memory_space<vmem_shared>> -> memref<80x128xf32, #tpu.memory_space<vmem_shared>>
    %dma_wait3A_286 = arith.constant 0 : i32
    %dma_wait3A_287 = arith.constant 0 : i32
    %dma_wait3A_288 = tpu.memref_slice %arg7[%dma_wait3A_274, %dma_wait3A_286, %dma_wait3A_287] : memref<2x96x128xf32, #tpu.memory_space<vmem>> -> memref<1x96x128xf32, #tpu.memory_space<vmem>>
    %dma_wait3A_289 = tpu.memref_squeeze %dma_wait3A_288 : memref<1x96x128xf32, #tpu.memory_space<vmem>> -> memref<96x128xf32, #tpu.memory_space<vmem>>
    %dma_wait3A_290 = arith.constant 0 : i32
    %dma_wait3A_291 = arith.constant 0 : i32
    %dma_wait3A_292 = tpu.memref_slice %dma_wait3A_289[%dma_wait3A_290, %dma_wait3A_291] : memref<96x128xf32, #tpu.memory_space<vmem>> -> memref<80x128xf32, #tpu.memory_space<vmem>>
    tpu.wait_dma2 semaphore(%arg11 : memref<!tpu.dma_semaphore, #tpu.memory_space<semaphore_mem>>) src(%dma_wait3A_292 : memref<80x128xf32, #tpu.memory_space<vmem>>) dst(%dma_wait3A_285 : memref<80x128xf32, #tpu.memory_space<vmem_shared>>)
    %add3A_293 = arith.constant 400 : i32
    %add3A_294 = arith.addi %mul3A_20, %add3A_293 : i32
    %dma_wait3A_295 = arith.constant 0 : i32
    %dma_wait3A_296 = arith.constant 0 : i32
    %dma_wait3A_297 = arith.constant 0 : i32
    %dma_wait3A_298 = tpu.memref_slice %arg7[%dma_wait3A_295, %dma_wait3A_296, %dma_wait3A_297] : memref<2x96x128xf32, #tpu.memory_space<vmem>> -> memref<1x96x128xf32, #tpu.memory_space<vmem>>
    %dma_wait3A_299 = tpu.memref_squeeze %dma_wait3A_298 : memref<1x96x128xf32, #tpu.memory_space<vmem>> -> memref<96x128xf32, #tpu.memory_space<vmem>>
    %dma_wait3A_300 = arith.constant 0 : i32
    %dma_wait3A_301 = arith.constant 0 : i32
    %dma_wait3A_302 = tpu.memref_slice %dma_wait3A_299[%dma_wait3A_300, %dma_wait3A_301] : memref<96x128xf32, #tpu.memory_space<vmem>> -> memref<80x128xf32, #tpu.memory_space<vmem>>
    %dma_wait3A_303 = arith.constant 0 : i32
    %dma_wait3A_304 = tpu.memref_slice %arg8[%add3A_294, %dma_wait3A_303] : memref<10240x128xf32, #tpu.memory_space<vmem_shared>> -> memref<80x128xf32, #tpu.memory_space<vmem_shared>>
    %dma_wait3A_305 = arith.constant 0 : i32
    %dma_wait3A_306 = tpu.memref_slice %arg8[%add3A_294, %dma_wait3A_305] : memref<10240x128xf32, #tpu.memory_space<vmem_shared>> -> memref<80x128xf32, #tpu.memory_space<vmem_shared>>
    %dma_wait3A_307 = arith.constant 0 : i32
    %dma_wait3A_308 = arith.constant 0 : i32
    %dma_wait3A_309 = tpu.memref_slice %arg7[%dma_wait3A_295, %dma_wait3A_307, %dma_wait3A_308] : memref<2x96x128xf32, #tpu.memory_space<vmem>> -> memref<1x96x128xf32, #tpu.memory_space<vmem>>
    %dma_wait3A_310 = tpu.memref_squeeze %dma_wait3A_309 : memref<1x96x128xf32, #tpu.memory_space<vmem>> -> memref<96x128xf32, #tpu.memory_space<vmem>>
    %dma_wait3A_311 = arith.constant 0 : i32
    %dma_wait3A_312 = arith.constant 0 : i32
    %dma_wait3A_313 = tpu.memref_slice %dma_wait3A_310[%dma_wait3A_311, %dma_wait3A_312] : memref<96x128xf32, #tpu.memory_space<vmem>> -> memref<80x128xf32, #tpu.memory_space<vmem>>
    tpu.wait_dma2 semaphore(%arg11 : memref<!tpu.dma_semaphore, #tpu.memory_space<semaphore_mem>>) src(%dma_wait3A_313 : memref<80x128xf32, #tpu.memory_space<vmem>>) dst(%dma_wait3A_306 : memref<80x128xf32, #tpu.memory_space<vmem_shared>>)
    %add3A_314 = arith.constant 480 : i32
    %add3A_315 = arith.addi %mul3A_20, %add3A_314 : i32
    %dma_wait3A_316 = arith.constant 0 : i32
    %dma_wait3A_317 = arith.constant 0 : i32
    %dma_wait3A_318 = arith.constant 0 : i32
    %dma_wait3A_319 = tpu.memref_slice %arg7[%dma_wait3A_316, %dma_wait3A_317, %dma_wait3A_318] : memref<2x96x128xf32, #tpu.memory_space<vmem>> -> memref<1x96x128xf32, #tpu.memory_space<vmem>>
    %dma_wait3A_320 = tpu.memref_squeeze %dma_wait3A_319 : memref<1x96x128xf32, #tpu.memory_space<vmem>> -> memref<96x128xf32, #tpu.memory_space<vmem>>
    %dma_wait3A_321 = arith.constant 0 : i32
    %dma_wait3A_322 = arith.constant 0 : i32
    %dma_wait3A_323 = tpu.memref_slice %dma_wait3A_320[%dma_wait3A_321, %dma_wait3A_322] : memref<96x128xf32, #tpu.memory_space<vmem>> -> memref<80x128xf32, #tpu.memory_space<vmem>>
    %dma_wait3A_324 = arith.constant 0 : i32
    %dma_wait3A_325 = tpu.memref_slice %arg8[%add3A_315, %dma_wait3A_324] : memref<10240x128xf32, #tpu.memory_space<vmem_shared>> -> memref<80x128xf32, #tpu.memory_space<vmem_shared>>
    %dma_wait3A_326 = arith.constant 0 : i32
    %dma_wait3A_327 = tpu.memref_slice %arg8[%add3A_315, %dma_wait3A_326] : memref<10240x128xf32, #tpu.memory_space<vmem_shared>> -> memref<80x128xf32, #tpu.memory_space<vmem_shared>>
    %dma_wait3A_328 = arith.constant 0 : i32
    %dma_wait3A_329 = arith.constant 0 : i32
    %dma_wait3A_330 = tpu.memref_slice %arg7[%dma_wait3A_316, %dma_wait3A_328, %dma_wait3A_329] : memref<2x96x128xf32, #tpu.memory_space<vmem>> -> memref<1x96x128xf32, #tpu.memory_space<vmem>>
    %dma_wait3A_331 = tpu.memref_squeeze %dma_wait3A_330 : memref<1x96x128xf32, #tpu.memory_space<vmem>> -> memref<96x128xf32, #tpu.memory_space<vmem>>
    %dma_wait3A_332 = arith.constant 0 : i32
    %dma_wait3A_333 = arith.constant 0 : i32
    %dma_wait3A_334 = tpu.memref_slice %dma_wait3A_331[%dma_wait3A_332, %dma_wait3A_333] : memref<96x128xf32, #tpu.memory_space<vmem>> -> memref<80x128xf32, #tpu.memory_space<vmem>>
    tpu.wait_dma2 semaphore(%arg11 : memref<!tpu.dma_semaphore, #tpu.memory_space<semaphore_mem>>) src(%dma_wait3A_334 : memref<80x128xf32, #tpu.memory_space<vmem>>) dst(%dma_wait3A_327 : memref<80x128xf32, #tpu.memory_space<vmem_shared>>)
    %add3A_335 = arith.constant 560 : i32
    %add3A_336 = arith.addi %mul3A_20, %add3A_335 : i32
    %dma_wait3A_337 = arith.constant 0 : i32
    %dma_wait3A_338 = arith.constant 0 : i32
    %dma_wait3A_339 = arith.constant 0 : i32
    %dma_wait3A_340 = tpu.memref_slice %arg7[%dma_wait3A_337, %dma_wait3A_338, %dma_wait3A_339] : memref<2x96x128xf32, #tpu.memory_space<vmem>> -> memref<1x96x128xf32, #tpu.memory_space<vmem>>
    %dma_wait3A_341 = tpu.memref_squeeze %dma_wait3A_340 : memref<1x96x128xf32, #tpu.memory_space<vmem>> -> memref<96x128xf32, #tpu.memory_space<vmem>>
    %dma_wait3A_342 = arith.constant 0 : i32
    %dma_wait3A_343 = arith.constant 0 : i32
    %dma_wait3A_344 = tpu.memref_slice %dma_wait3A_341[%dma_wait3A_342, %dma_wait3A_343] : memref<96x128xf32, #tpu.memory_space<vmem>> -> memref<80x128xf32, #tpu.memory_space<vmem>>
    %dma_wait3A_345 = arith.constant 0 : i32
    %dma_wait3A_346 = tpu.memref_slice %arg8[%add3A_336, %dma_wait3A_345] : memref<10240x128xf32, #tpu.memory_space<vmem_shared>> -> memref<80x128xf32, #tpu.memory_space<vmem_shared>>
    %dma_wait3A_347 = arith.constant 0 : i32
    %dma_wait3A_348 = tpu.memref_slice %arg8[%add3A_336, %dma_wait3A_347] : memref<10240x128xf32, #tpu.memory_space<vmem_shared>> -> memref<80x128xf32, #tpu.memory_space<vmem_shared>>
    %dma_wait3A_349 = arith.constant 0 : i32
    %dma_wait3A_350 = arith.constant 0 : i32
    %dma_wait3A_351 = tpu.memref_slice %arg7[%dma_wait3A_337, %dma_wait3A_349, %dma_wait3A_350] : memref<2x96x128xf32, #tpu.memory_space<vmem>> -> memref<1x96x128xf32, #tpu.memory_space<vmem>>
    %dma_wait3A_352 = tpu.memref_squeeze %dma_wait3A_351 : memref<1x96x128xf32, #tpu.memory_space<vmem>> -> memref<96x128xf32, #tpu.memory_space<vmem>>
    %dma_wait3A_353 = arith.constant 0 : i32
    %dma_wait3A_354 = arith.constant 0 : i32
    %dma_wait3A_355 = tpu.memref_slice %dma_wait3A_352[%dma_wait3A_353, %dma_wait3A_354] : memref<96x128xf32, #tpu.memory_space<vmem>> -> memref<80x128xf32, #tpu.memory_space<vmem>>
    tpu.wait_dma2 semaphore(%arg11 : memref<!tpu.dma_semaphore, #tpu.memory_space<semaphore_mem>>) src(%dma_wait3A_355 : memref<80x128xf32, #tpu.memory_space<vmem>>) dst(%dma_wait3A_348 : memref<80x128xf32, #tpu.memory_space<vmem_shared>>)
    %dma_wait3A_356 = arith.constant 0 : i32
    %dma_wait3A_357 = tpu.memref_slice %arg2[%dma_wait3A_356, %mul3A_2] : memref<2x320000xi32, #tpu.memory_space<hbm>> -> memref<1x10000xi32, #tpu.memory_space<hbm>>
    %dma_wait3A_358 = tpu.memref_squeeze %dma_wait3A_357 : memref<1x10000xi32, #tpu.memory_space<hbm>> -> memref<10000xi32, #tpu.memory_space<hbm>>
    %dma_wait3A_359 = tpu.memref_slice %arg2[%dma_wait3A_356, %mul3A_2] : memref<2x320000xi32, #tpu.memory_space<hbm>> -> memref<1x10000xi32, #tpu.memory_space<hbm>>
    %dma_wait3A_360 = tpu.memref_squeeze %dma_wait3A_359 : memref<1x10000xi32, #tpu.memory_space<hbm>> -> memref<10000xi32, #tpu.memory_space<hbm>>
    tpu.wait_dma2 semaphore(%arg11 : memref<!tpu.dma_semaphore, #tpu.memory_space<semaphore_mem>>) src(%dma_wait3A_360 : memref<10000xi32, #tpu.memory_space<hbm>>) dst(%arg5 : memref<10000xi32, #tpu.memory_space<vmem>>)
    %dma_wait3A_361 = arith.constant 1 : i32
    %dma_wait3A_362 = tpu.memref_slice %arg2[%dma_wait3A_361, %mul3A_2] : memref<2x320000xi32, #tpu.memory_space<hbm>> -> memref<1x10000xi32, #tpu.memory_space<hbm>>
    %dma_wait3A_363 = tpu.memref_squeeze %dma_wait3A_362 : memref<1x10000xi32, #tpu.memory_space<hbm>> -> memref<10000xi32, #tpu.memory_space<hbm>>
    %dma_wait3A_364 = tpu.memref_slice %arg2[%dma_wait3A_361, %mul3A_2] : memref<2x320000xi32, #tpu.memory_space<hbm>> -> memref<1x10000xi32, #tpu.memory_space<hbm>>
    %dma_wait3A_365 = tpu.memref_squeeze %dma_wait3A_364 : memref<1x10000xi32, #tpu.memory_space<hbm>> -> memref<10000xi32, #tpu.memory_space<hbm>>
    tpu.wait_dma2 semaphore(%arg11 : memref<!tpu.dma_semaphore, #tpu.memory_space<semaphore_mem>>) src(%dma_wait3A_365 : memref<10000xi32, #tpu.memory_space<hbm>>) dst(%arg6 : memref<10000xi32, #tpu.memory_space<vmem>>)
    %barrier3A = arith.constant 0 : index
    tpu.barrier barrier_id(%barrier3A)
    %dma_start3A_366 = arith.constant 0 : i32
    %dma_start3A_367 = arith.constant 0 : i32
    %dma_start3A_368 = arith.constant 0 : i32
    %dma_start3A_369 = tpu.memref_slice %arg7[%dma_start3A_366, %dma_start3A_367, %dma_start3A_368] : memref<2x96x128xf32, #tpu.memory_space<vmem>> -> memref<1x96x128xf32, #tpu.memory_space<vmem>>
    %dma_start3A_370 = tpu.memref_squeeze %dma_start3A_369 : memref<1x96x128xf32, #tpu.memory_space<vmem>> -> memref<96x128xf32, #tpu.memory_space<vmem>>
    %dma_start3A_371 = arith.constant 0 : i32
    %dma_start3A_372 = tpu.memref_slice %arg5[%dma_start3A_371] : memref<10000xi32, #tpu.memory_space<vmem>> -> memref<96xi32, #tpu.memory_space<vmem>>
    %dma_start3A_373 = arith.constant 0 : i32
    %dma_start3A_374 = arith.constant 0 : i32
    %dma_start3A_375 = tpu.memref_slice %arg3[%dma_start3A_373, %dma_start3A_374] : memref<10000x128xf32, #tpu.memory_space<hbm>> -> memref<10000x128xf32, #tpu.memory_space<hbm>>
    tpu.enqueue_indirect_dma source(%dma_start3A_375 : memref<10000x128xf32, #tpu.memory_space<hbm>>) target(%dma_start3A_370 : memref<96x128xf32, #tpu.memory_space<vmem>>) offsets(%dma_start3A_372 : memref<96xi32, #tpu.memory_space<vmem>>) semaphore(%arg9 : memref<!tpu.dma_semaphore, #tpu.memory_space<semaphore_mem>>)
    %dma_start3A_376 = arith.constant 1 : i32
    %dma_start3A_377 = arith.constant 0 : i32
    %dma_start3A_378 = arith.constant 0 : i32
    %dma_start3A_379 = tpu.memref_slice %arg7[%dma_start3A_376, %dma_start3A_377, %dma_start3A_378] : memref<2x96x128xf32, #tpu.memory_space<vmem>> -> memref<1x96x128xf32, #tpu.memory_space<vmem>>
    %dma_start3A_380 = tpu.memref_squeeze %dma_start3A_379 : memref<1x96x128xf32, #tpu.memory_space<vmem>> -> memref<96x128xf32, #tpu.memory_space<vmem>>
    %dma_start3A_381 = arith.constant 96 : i32
    %dma_start3A_382 = tpu.memref_slice %arg5[%dma_start3A_381] : memref<10000xi32, #tpu.memory_space<vmem>> -> memref<96xi32, #tpu.memory_space<vmem>>
    %dma_start3A_383 = arith.constant 0 : i32
    %dma_start3A_384 = arith.constant 0 : i32
    %dma_start3A_385 = tpu.memref_slice %arg3[%dma_start3A_383, %dma_start3A_384] : memref<10000x128xf32, #tpu.memory_space<hbm>> -> memref<10000x128xf32, #tpu.memory_space<hbm>>
    tpu.enqueue_indirect_dma source(%dma_start3A_385 : memref<10000x128xf32, #tpu.memory_space<hbm>>) target(%dma_start3A_380 : memref<96x128xf32, #tpu.memory_space<vmem>>) offsets(%dma_start3A_382 : memref<96xi32, #tpu.memory_space<vmem>>) semaphore(%arg10 : memref<!tpu.dma_semaphore, #tpu.memory_space<semaphore_mem>>)
    %scan3A_386 = arith.constant 0 : i32
    %scan3A_387 = arith.constant 0 : i32
    %scan3A_388 = arith.constant 52 : i32
    %scan3A_389 = arith.addi %scan3A_387, %scan3A_388 : i32
    %scan3A_390 = arith.constant 1 : i32
    %scan3A_391 = scf.for %scan3A_420 = %scan3A_387 to %scan3A_389 step %scan3A_390 iter_args(%scan3A_421 = %scan3A_386) -> (i32)  : i32 {
      %mul3A_422 = arith.constant 2 : i32
      %mul3A_423 = arith.muli %mul3A_422, %scan3A_420 : i32
      %add3A_424 = arith.constant 0 : i32
      %add3A_425 = arith.addi %mul3A_423, %add3A_424 : i32
      %mul3A_426 = arith.constant 96 : i32
      %mul3A_427 = arith.muli %add3A_425, %mul3A_426 : i32
      %dma_wait3A_428 = arith.constant 0 : i32
      %dma_wait3A_429 = arith.constant 0 : i32
      %dma_wait3A_430 = arith.constant 0 : i32
      %dma_wait3A_431 = tpu.memref_slice %arg7[%dma_wait3A_428, %dma_wait3A_429, %dma_wait3A_430] : memref<2x96x128xf32, #tpu.memory_space<vmem>> -> memref<1x96x128xf32, #tpu.memory_space<vmem>>
      %dma_wait3A_432 = tpu.memref_squeeze %dma_wait3A_431 : memref<1x96x128xf32, #tpu.memory_space<vmem>> -> memref<96x128xf32, #tpu.memory_space<vmem>>
      %dma_wait3A_433 = tpu.memref_slice %arg5[%mul3A_427] : memref<10000xi32, #tpu.memory_space<vmem>> -> memref<96xi32, #tpu.memory_space<vmem>>
      %dma_wait3A_434 = arith.constant 0 : i32
      %dma_wait3A_435 = arith.constant 0 : i32
      %dma_wait3A_436 = tpu.memref_slice %arg3[%dma_wait3A_434, %dma_wait3A_435] : memref<10000x128xf32, #tpu.memory_space<hbm>> -> memref<10000x128xf32, #tpu.memory_space<hbm>>
      tpu.wait_indirect_dma semaphore(%arg9 : memref<!tpu.dma_semaphore, #tpu.memory_space<semaphore_mem>>) src(%dma_wait3A_436 : memref<10000x128xf32, #tpu.memory_space<hbm>>) dst(%dma_wait3A_432 : memref<96x128xf32, #tpu.memory_space<vmem>>)
      %mul3A_437 = arith.constant 96 : i32
      %mul3A_438 = arith.muli %add3A_425, %mul3A_437 : i32
      %run_scoped3A_439 = arith.constant 0 : i32
      "tpu.region"() ({
        %run_scoped3A_470 = tpu.sem_alloc : memref<!tpu.dma_semaphore, #tpu.memory_space<semaphore_mem>>
        %dma_start3A_471 = arith.constant 0 : i32
        %dma_start3A_472 = arith.constant 0 : i32
        %dma_start3A_473 = tpu.memref_slice %arg7[%run_scoped3A_439, %dma_start3A_471, %dma_start3A_472] : memref<2x96x128xf32, #tpu.memory_space<vmem>> -> memref<1x96x128xf32, #tpu.memory_space<vmem>>
        %dma_start3A_474 = tpu.memref_squeeze %dma_start3A_473 : memref<1x96x128xf32, #tpu.memory_space<vmem>> -> memref<96x128xf32, #tpu.memory_space<vmem>>
        %dma_start3A_475 = tpu.memref_slice %arg6[%mul3A_438] : memref<10000xi32, #tpu.memory_space<vmem>> -> memref<96xi32, #tpu.memory_space<vmem>>
        %dma_start3A_476 = arith.constant 0 : i32
        %dma_start3A_477 = arith.constant 0 : i32
        %dma_start3A_478 = tpu.memref_slice %arg8[%dma_start3A_476, %dma_start3A_477] : memref<10240x128xf32, #tpu.memory_space<vmem_shared>> -> memref<10240x128xf32, #tpu.memory_space<vmem_shared>>
        tpu.enqueue_indirect_dma source(%dma_start3A_474 : memref<96x128xf32, #tpu.memory_space<vmem>>) target(%dma_start3A_478 : memref<10240x128xf32, #tpu.memory_space<vmem_shared>>) offsets(%dma_start3A_475 : memref<96xi32, #tpu.memory_space<vmem>>) semaphore(%run_scoped3A_470 : memref<!tpu.dma_semaphore, #tpu.memory_space<semaphore_mem>>) {add = true}
        %dma_wait3A_479 = arith.constant 0 : i32
        %dma_wait3A_480 = arith.constant 0 : i32
        %dma_wait3A_481 = tpu.memref_slice %arg7[%run_scoped3A_439, %dma_wait3A_479, %dma_wait3A_480] : memref<2x96x128xf32, #tpu.memory_space<vmem>> -> memref<1x96x128xf32, #tpu.memory_space<vmem>>
        %dma_wait3A_482 = tpu.memref_squeeze %dma_wait3A_481 : memref<1x96x128xf32, #tpu.memory_space<vmem>> -> memref<96x128xf32, #tpu.memory_space<vmem>>
        %dma_wait3A_483 = tpu.memref_slice %arg6[%mul3A_438] : memref<10000xi32, #tpu.memory_space<vmem>> -> memref<96xi32, #tpu.memory_space<vmem>>
        %dma_wait3A_484 = arith.constant 0 : i32
        %dma_wait3A_485 = arith.constant 0 : i32
        %dma_wait3A_486 = tpu.memref_slice %arg8[%dma_wait3A_484, %dma_wait3A_485] : memref<10240x128xf32, #tpu.memory_space<vmem_shared>> -> memref<10240x128xf32, #tpu.memory_space<vmem_shared>>
        tpu.wait_indirect_dma semaphore(%run_scoped3A_470 : memref<!tpu.dma_semaphore, #tpu.memory_space<semaphore_mem>>) src(%dma_wait3A_482 : memref<96x128xf32, #tpu.memory_space<vmem>>) dst(%dma_wait3A_486 : memref<10240x128xf32, #tpu.memory_space<vmem_shared>>)
        tpu.yield
      }) : () -> ()
      %add3A_440 = arith.constant 2 : i32
      %add3A_441 = arith.addi %add3A_425, %add3A_440 : i32
      %lt3A = arith.constant 104 : i32
      %lt3A_442 = arith.cmpi slt, %add3A_441, %lt3A : i32
      %convert_element_type3A = arith.extui %lt3A_442 : i1 to i32
      %cond3A = arith.constant 0 : i32
      %cond3A_443 = arith.cmpi ne, %convert_element_type3A, %cond3A : i32
      scf.if %cond3A_443 {
        %add3A_470 = arith.constant 2 : i32
        %add3A_471 = arith.addi %add3A_425, %add3A_470 : i32
        %mul3A_472 = arith.constant 96 : i32
        %mul3A_473 = arith.muli %add3A_471, %mul3A_472 : i32
        %dma_start3A_474 = arith.constant 0 : i32
        %dma_start3A_475 = arith.constant 0 : i32
        %dma_start3A_476 = arith.constant 0 : i32
        %dma_start3A_477 = tpu.memref_slice %arg7[%dma_start3A_474, %dma_start3A_475, %dma_start3A_476] : memref<2x96x128xf32, #tpu.memory_space<vmem>> -> memref<1x96x128xf32, #tpu.memory_space<vmem>>
        %dma_start3A_478 = tpu.memref_squeeze %dma_start3A_477 : memref<1x96x128xf32, #tpu.memory_space<vmem>> -> memref<96x128xf32, #tpu.memory_space<vmem>>
        %dma_start3A_479 = tpu.memref_slice %arg5[%mul3A_473] : memref<10000xi32, #tpu.memory_space<vmem>> -> memref<96xi32, #tpu.memory_space<vmem>>
        %dma_start3A_480 = arith.constant 0 : i32
        %dma_start3A_481 = arith.constant 0 : i32
        %dma_start3A_482 = tpu.memref_slice %arg3[%dma_start3A_480, %dma_start3A_481] : memref<10000x128xf32, #tpu.memory_space<hbm>> -> memref<10000x128xf32, #tpu.memory_space<hbm>>
        tpu.enqueue_indirect_dma source(%dma_start3A_482 : memref<10000x128xf32, #tpu.memory_space<hbm>>) target(%dma_start3A_478 : memref<96x128xf32, #tpu.memory_space<vmem>>) offsets(%dma_start3A_479 : memref<96xi32, #tpu.memory_space<vmem>>) semaphore(%arg9 : memref<!tpu.dma_semaphore, #tpu.memory_space<semaphore_mem>>)
      } else {
      }
      %mul3A_444 = arith.constant 2 : i32
      %mul3A_445 = arith.muli %mul3A_444, %scan3A_420 : i32
      %add3A_446 = arith.constant 1 : i32
      %add3A_447 = arith.addi %mul3A_445, %add3A_446 : i32
      %mul3A_448 = arith.constant 96 : i32
      %mul3A_449 = arith.muli %add3A_447, %mul3A_448 : i32
      %dma_wait3A_450 = arith.constant 1 : i32
      %dma_wait3A_451 = arith.constant 0 : i32
      %dma_wait3A_452 = arith.constant 0 : i32
      %dma_wait3A_453 = tpu.memref_slice %arg7[%dma_wait3A_450, %dma_wait3A_451, %dma_wait3A_452] : memref<2x96x128xf32, #tpu.memory_space<vmem>> -> memref<1x96x128xf32, #tpu.memory_space<vmem>>
      %dma_wait3A_454 = tpu.memref_squeeze %dma_wait3A_453 : memref<1x96x128xf32, #tpu.memory_space<vmem>> -> memref<96x128xf32, #tpu.memory_space<vmem>>
      %dma_wait3A_455 = tpu.memref_slice %arg5[%mul3A_449] : memref<10000xi32, #tpu.memory_space<vmem>> -> memref<96xi32, #tpu.memory_space<vmem>>
      %dma_wait3A_456 = arith.constant 0 : i32
      %dma_wait3A_457 = arith.constant 0 : i32
      %dma_wait3A_458 = tpu.memref_slice %arg3[%dma_wait3A_456, %dma_wait3A_457] : memref<10000x128xf32, #tpu.memory_space<hbm>> -> memref<10000x128xf32, #tpu.memory_space<hbm>>
      tpu.wait_indirect_dma semaphore(%arg10 : memref<!tpu.dma_semaphore, #tpu.memory_space<semaphore_mem>>) src(%dma_wait3A_458 : memref<10000x128xf32, #tpu.memory_space<hbm>>) dst(%dma_wait3A_454 : memref<96x128xf32, #tpu.memory_space<vmem>>)
      %mul3A_459 = arith.constant 96 : i32
      %mul3A_460 = arith.muli %add3A_447, %mul3A_459 : i32
      %run_scoped3A_461 = arith.constant 1 : i32
      "tpu.region"() ({
        %run_scoped3A_470 = tpu.sem_alloc : memref<!tpu.dma_semaphore, #tpu.memory_space<semaphore_mem>>
        %dma_start3A_471 = arith.constant 0 : i32
        %dma_start3A_472 = arith.constant 0 : i32
        %dma_start3A_473 = tpu.memref_slice %arg7[%run_scoped3A_461, %dma_start3A_471, %dma_start3A_472] : memref<2x96x128xf32, #tpu.memory_space<vmem>> -> memref<1x96x128xf32, #tpu.memory_space<vmem>>
        %dma_start3A_474 = tpu.memref_squeeze %dma_start3A_473 : memref<1x96x128xf32, #tpu.memory_space<vmem>> -> memref<96x128xf32, #tpu.memory_space<vmem>>
        %dma_start3A_475 = tpu.memref_slice %arg6[%mul3A_460] : memref<10000xi32, #tpu.memory_space<vmem>> -> memref<96xi32, #tpu.memory_space<vmem>>
        %dma_start3A_476 = arith.constant 0 : i32
        %dma_start3A_477 = arith.constant 0 : i32
        %dma_start3A_478 = tpu.memref_slice %arg8[%dma_start3A_476, %dma_start3A_477] : memref<10240x128xf32, #tpu.memory_space<vmem_shared>> -> memref<10240x128xf32, #tpu.memory_space<vmem_shared>>
        tpu.enqueue_indirect_dma source(%dma_start3A_474 : memref<96x128xf32, #tpu.memory_space<vmem>>) target(%dma_start3A_478 : memref<10240x128xf32, #tpu.memory_space<vmem_shared>>) offsets(%dma_start3A_475 : memref<96xi32, #tpu.memory_space<vmem>>) semaphore(%run_scoped3A_470 : memref<!tpu.dma_semaphore, #tpu.memory_space<semaphore_mem>>) {add = true}
        %dma_wait3A_479 = arith.constant 0 : i32
        %dma_wait3A_480 = arith.constant 0 : i32
        %dma_wait3A_481 = tpu.memref_slice %arg7[%run_scoped3A_461, %dma_wait3A_479, %dma_wait3A_480] : memref<2x96x128xf32, #tpu.memory_space<vmem>> -> memref<1x96x128xf32, #tpu.memory_space<vmem>>
        %dma_wait3A_482 = tpu.memref_squeeze %dma_wait3A_481 : memref<1x96x128xf32, #tpu.memory_space<vmem>> -> memref<96x128xf32, #tpu.memory_space<vmem>>
        %dma_wait3A_483 = tpu.memref_slice %arg6[%mul3A_460] : memref<10000xi32, #tpu.memory_space<vmem>> -> memref<96xi32, #tpu.memory_space<vmem>>
        %dma_wait3A_484 = arith.constant 0 : i32
        %dma_wait3A_485 = arith.constant 0 : i32
        %dma_wait3A_486 = tpu.memref_slice %arg8[%dma_wait3A_484, %dma_wait3A_485] : memref<10240x128xf32, #tpu.memory_space<vmem_shared>> -> memref<10240x128xf32, #tpu.memory_space<vmem_shared>>
        tpu.wait_indirect_dma semaphore(%run_scoped3A_470 : memref<!tpu.dma_semaphore, #tpu.memory_space<semaphore_mem>>) src(%dma_wait3A_482 : memref<96x128xf32, #tpu.memory_space<vmem>>) dst(%dma_wait3A_486 : memref<10240x128xf32, #tpu.memory_space<vmem_shared>>)
        tpu.yield
      }) : () -> ()
      %add3A_462 = arith.constant 2 : i32
      %add3A_463 = arith.addi %add3A_447, %add3A_462 : i32
      %lt3A_464 = arith.constant 104 : i32
      %lt3A_465 = arith.cmpi slt, %add3A_463, %lt3A_464 : i32
      %convert_element_type3A_466 = arith.extui %lt3A_465 : i1 to i32
      %cond3A_467 = arith.constant 0 : i32
      %cond3A_468 = arith.cmpi ne, %convert_element_type3A_466, %cond3A_467 : i32
      scf.if %cond3A_468 {
        %add3A_470 = arith.constant 2 : i32
        %add3A_471 = arith.addi %add3A_447, %add3A_470 : i32
        %mul3A_472 = arith.constant 96 : i32
        %mul3A_473 = arith.muli %add3A_471, %mul3A_472 : i32
        %dma_start3A_474 = arith.constant 1 : i32
        %dma_start3A_475 = arith.constant 0 : i32
        %dma_start3A_476 = arith.constant 0 : i32
        %dma_start3A_477 = tpu.memref_slice %arg7[%dma_start3A_474, %dma_start3A_475, %dma_start3A_476] : memref<2x96x128xf32, #tpu.memory_space<vmem>> -> memref<1x96x128xf32, #tpu.memory_space<vmem>>
        %dma_start3A_478 = tpu.memref_squeeze %dma_start3A_477 : memref<1x96x128xf32, #tpu.memory_space<vmem>> -> memref<96x128xf32, #tpu.memory_space<vmem>>
        %dma_start3A_479 = tpu.memref_slice %arg5[%mul3A_473] : memref<10000xi32, #tpu.memory_space<vmem>> -> memref<96xi32, #tpu.memory_space<vmem>>
        %dma_start3A_480 = arith.constant 0 : i32
        %dma_start3A_481 = arith.constant 0 : i32
        %dma_start3A_482 = tpu.memref_slice %arg3[%dma_start3A_480, %dma_start3A_481] : memref<10000x128xf32, #tpu.memory_space<hbm>> -> memref<10000x128xf32, #tpu.memory_space<hbm>>
        tpu.enqueue_indirect_dma source(%dma_start3A_482 : memref<10000x128xf32, #tpu.memory_space<hbm>>) target(%dma_start3A_478 : memref<96x128xf32, #tpu.memory_space<vmem>>) offsets(%dma_start3A_479 : memref<96xi32, #tpu.memory_space<vmem>>) semaphore(%arg10 : memref<!tpu.dma_semaphore, #tpu.memory_space<semaphore_mem>>)
      } else {
      }
      %scan3A_469 = arith.constant 0 : i32
      scf.yield %scan3A_469 : i32
    }
    %scan3A_392 = arith.constant 52 : i32
    %dma_start3A_393 = arith.constant 0 : i32
    %dma_start3A_394 = arith.constant 0 : i32
    %dma_start3A_395 = arith.constant 0 : i32
    %dma_start3A_396 = tpu.memref_slice %arg7[%dma_start3A_393, %dma_start3A_394, %dma_start3A_395] : memref<2x96x128xf32, #tpu.memory_space<vmem>> -> memref<1x96x128xf32, #tpu.memory_space<vmem>>
    %dma_start3A_397 = tpu.memref_squeeze %dma_start3A_396 : memref<1x96x128xf32, #tpu.memory_space<vmem>> -> memref<96x128xf32, #tpu.memory_space<vmem>>
    %dma_start3A_398 = arith.constant 0 : i32
    %dma_start3A_399 = arith.constant 0 : i32
    %dma_start3A_400 = tpu.memref_slice %dma_start3A_397[%dma_start3A_398, %dma_start3A_399] : memref<96x128xf32, #tpu.memory_space<vmem>> -> memref<16x128xf32, #tpu.memory_space<vmem>>
    %dma_start3A_401 = arith.constant 9984 : i32
    %dma_start3A_402 = tpu.memref_slice %arg5[%dma_start3A_401] : memref<10000xi32, #tpu.memory_space<vmem>> -> memref<16xi32, #tpu.memory_space<vmem>>
    %dma_start3A_403 = arith.constant 0 : i32
    %dma_start3A_404 = arith.constant 0 : i32
    %dma_start3A_405 = tpu.memref_slice %arg3[%dma_start3A_403, %dma_start3A_404] : memref<10000x128xf32, #tpu.memory_space<hbm>> -> memref<10000x128xf32, #tpu.memory_space<hbm>>
    tpu.enqueue_indirect_dma source(%dma_start3A_405 : memref<10000x128xf32, #tpu.memory_space<hbm>>) target(%dma_start3A_400 : memref<16x128xf32, #tpu.memory_space<vmem>>) offsets(%dma_start3A_402 : memref<16xi32, #tpu.memory_space<vmem>>) semaphore(%arg9 : memref<!tpu.dma_semaphore, #tpu.memory_space<semaphore_mem>>)
    %dma_wait3A_406 = arith.constant 0 : i32
    %dma_wait3A_407 = arith.constant 0 : i32
    %dma_wait3A_408 = arith.constant 0 : i32
    %dma_wait3A_409 = tpu.memref_slice %arg7[%dma_wait3A_406, %dma_wait3A_407, %dma_wait3A_408] : memref<2x96x128xf32, #tpu.memory_space<vmem>> -> memref<1x96x128xf32, #tpu.memory_space<vmem>>
    %dma_wait3A_410 = tpu.memref_squeeze %dma_wait3A_409 : memref<1x96x128xf32, #tpu.memory_space<vmem>> -> memref<96x128xf32, #tpu.memory_space<vmem>>
    %dma_wait3A_411 = arith.constant 0 : i32
    %dma_wait3A_412 = arith.constant 0 : i32
    %dma_wait3A_413 = tpu.memref_slice %dma_wait3A_410[%dma_wait3A_411, %dma_wait3A_412] : memref<96x128xf32, #tpu.memory_space<vmem>> -> memref<16x128xf32, #tpu.memory_space<vmem>>
    %dma_wait3A_414 = arith.constant 9984 : i32
    %dma_wait3A_415 = tpu.memref_slice %arg5[%dma_wait3A_414] : memref<10000xi32, #tpu.memory_space<vmem>> -> memref<16xi32, #tpu.memory_space<vmem>>
    %dma_wait3A_416 = arith.constant 0 : i32
    %dma_wait3A_417 = arith.constant 0 : i32
    %dma_wait3A_418 = tpu.memref_slice %arg3[%dma_wait3A_416, %dma_wait3A_417] : memref<10000x128xf32, #tpu.memory_space<hbm>> -> memref<10000x128xf32, #tpu.memory_space<hbm>>
    tpu.wait_indirect_dma semaphore(%arg9 : memref<!tpu.dma_semaphore, #tpu.memory_space<semaphore_mem>>) src(%dma_wait3A_418 : memref<10000x128xf32, #tpu.memory_space<hbm>>) dst(%dma_wait3A_413 : memref<16x128xf32, #tpu.memory_space<vmem>>)
    %run_scoped3A = arith.constant 0 : i32
    "tpu.region"() ({
      %run_scoped3A_420 = tpu.sem_alloc : memref<!tpu.dma_semaphore, #tpu.memory_space<semaphore_mem>>
      %dma_start3A_421 = arith.constant 0 : i32
      %dma_start3A_422 = arith.constant 0 : i32
      %dma_start3A_423 = tpu.memref_slice %arg7[%run_scoped3A, %dma_start3A_421, %dma_start3A_422] : memref<2x96x128xf32, #tpu.memory_space<vmem>> -> memref<1x96x128xf32, #tpu.memory_space<vmem>>
      %dma_start3A_424 = tpu.memref_squeeze %dma_start3A_423 : memref<1x96x128xf32, #tpu.memory_space<vmem>> -> memref<96x128xf32, #tpu.memory_space<vmem>>
      %dma_start3A_425 = arith.constant 0 : i32
      %dma_start3A_426 = arith.constant 0 : i32
      %dma_start3A_427 = tpu.memref_slice %dma_start3A_424[%dma_start3A_425, %dma_start3A_426] : memref<96x128xf32, #tpu.memory_space<vmem>> -> memref<16x128xf32, #tpu.memory_space<vmem>>
      %dma_start3A_428 = arith.constant 9984 : i32
      %dma_start3A_429 = tpu.memref_slice %arg6[%dma_start3A_428] : memref<10000xi32, #tpu.memory_space<vmem>> -> memref<16xi32, #tpu.memory_space<vmem>>
      %dma_start3A_430 = arith.constant 0 : i32
      %dma_start3A_431 = arith.constant 0 : i32
      %dma_start3A_432 = tpu.memref_slice %arg8[%dma_start3A_430, %dma_start3A_431] : memref<10240x128xf32, #tpu.memory_space<vmem_shared>> -> memref<10240x128xf32, #tpu.memory_space<vmem_shared>>
      tpu.enqueue_indirect_dma source(%dma_start3A_427 : memref<16x128xf32, #tpu.memory_space<vmem>>) target(%dma_start3A_432 : memref<10240x128xf32, #tpu.memory_space<vmem_shared>>) offsets(%dma_start3A_429 : memref<16xi32, #tpu.memory_space<vmem>>) semaphore(%run_scoped3A_420 : memref<!tpu.dma_semaphore, #tpu.memory_space<semaphore_mem>>) {add = true}
      %dma_wait3A_433 = arith.constant 0 : i32
      %dma_wait3A_434 = arith.constant 0 : i32
      %dma_wait3A_435 = tpu.memref_slice %arg7[%run_scoped3A, %dma_wait3A_433, %dma_wait3A_434] : memref<2x96x128xf32, #tpu.memory_space<vmem>> -> memref<1x96x128xf32, #tpu.memory_space<vmem>>
      %dma_wait3A_436 = tpu.memref_squeeze %dma_wait3A_435 : memref<1x96x128xf32, #tpu.memory_space<vmem>> -> memref<96x128xf32, #tpu.memory_space<vmem>>
      %dma_wait3A_437 = arith.constant 0 : i32
      %dma_wait3A_438 = arith.constant 0 : i32
      %dma_wait3A_439 = tpu.memref_slice %dma_wait3A_436[%dma_wait3A_437, %dma_wait3A_438] : memref<96x128xf32, #tpu.memory_space<vmem>> -> memref<16x128xf32, #tpu.memory_space<vmem>>
      %dma_wait3A_440 = arith.constant 9984 : i32
      %dma_wait3A_441 = tpu.memref_slice %arg6[%dma_wait3A_440] : memref<10000xi32, #tpu.memory_space<vmem>> -> memref<16xi32, #tpu.memory_space<vmem>>
      %dma_wait3A_442 = arith.constant 0 : i32
      %dma_wait3A_443 = arith.constant 0 : i32
      %dma_wait3A_444 = tpu.memref_slice %arg8[%dma_wait3A_442, %dma_wait3A_443] : memref<10240x128xf32, #tpu.memory_space<vmem_shared>> -> memref<10240x128xf32, #tpu.memory_space<vmem_shared>>
      tpu.wait_indirect_dma semaphore(%run_scoped3A_420 : memref<!tpu.dma_semaphore, #tpu.memory_space<semaphore_mem>>) src(%dma_wait3A_439 : memref<16x128xf32, #tpu.memory_space<vmem>>) dst(%dma_wait3A_444 : memref<10240x128xf32, #tpu.memory_space<vmem_shared>>)
      tpu.yield
    }) : () -> ()
    %barrier3A_419 = arith.constant 0 : index
    tpu.barrier barrier_id(%barrier3A_419)
    "tpu.region"() ({
      %run_scoped3A_420 = tpu.sem_alloc : memref<!tpu.dma_semaphore, #tpu.memory_space<semaphore_mem>>
      %dma_start3A_421 = arith.constant 0 : i32
      %dma_start3A_422 = tpu.memref_slice %arg4[%arg0, %mul3A_20, %dma_start3A_421] : memref<2x10240x128xf32, #tpu.memory_space<hbm>> -> memref<1x640x128xf32, #tpu.memory_space<hbm>>
      %dma_start3A_423 = tpu.memref_squeeze %dma_start3A_422 : memref<1x640x128xf32, #tpu.memory_space<hbm>> -> memref<640x128xf32, #tpu.memory_space<hbm>>
      %dma_start3A_424 = arith.constant 0 : i32
      %dma_start3A_425 = tpu.memref_slice %arg8[%mul3A_20, %dma_start3A_424] : memref<10240x128xf32, #tpu.memory_space<vmem_shared>> -> memref<640x128xf32, #tpu.memory_space<vmem_shared>>
      tpu.enqueue_dma source(%dma_start3A_425 : memref<640x128xf32, #tpu.memory_space<vmem_shared>>) target(%dma_start3A_423 : memref<640x128xf32, #tpu.memory_space<hbm>>) target_semaphore(%run_scoped3A_420 : memref<!tpu.dma_semaphore, #tpu.memory_space<semaphore_mem>>)
      %dma_wait3A_426 = arith.constant 0 : i32
      %dma_wait3A_427 = tpu.memref_slice %arg4[%arg0, %mul3A_20, %dma_wait3A_426] : memref<2x10240x128xf32, #tpu.memory_space<hbm>> -> memref<1x640x128xf32, #tpu.memory_space<hbm>>
      %dma_wait3A_428 = tpu.memref_squeeze %dma_wait3A_427 : memref<1x640x128xf32, #tpu.memory_space<hbm>> -> memref<640x128xf32, #tpu.memory_space<hbm>>
      %dma_wait3A_429 = arith.constant 0 : i32
      %dma_wait3A_430 = tpu.memref_slice %arg8[%mul3A_20, %dma_wait3A_429] : memref<10240x128xf32, #tpu.memory_space<vmem_shared>> -> memref<640x128xf32, #tpu.memory_space<vmem_shared>>
      tpu.wait_dma2 semaphore(%run_scoped3A_420 : memref<!tpu.dma_semaphore, #tpu.memory_space<semaphore_mem>>) src(%dma_wait3A_430 : memref<640x128xf32, #tpu.memory_space<vmem_shared>>) dst(%dma_wait3A_428 : memref<640x128xf32, #tpu.memory_space<hbm>>)
      tpu.yield
    }) : () -> ()
    return
  }
}

module attributes {stable_mosaic.version = 14 : i64} {
  func.func @_linear_body(%arg0: i32, %arg1: memref<1x1000x128xf32, #tpu.memory_space<vmem>>, %arg2: memref<1x1000x128xf32, #tpu.memory_space<vmem>>, %arg3: memref<128x128xf32, #tpu.memory_space<vmem>>, %arg4: memref<1x128xf32, #tpu.memory_space<vmem>>, %arg5: memref<1000x128xf32, #tpu.memory_space<vmem>>) attributes {dimension_semantics = [#tpu.dimension_semantics<arbitrary>], iteration_bounds = array<i64: 10>, scalar_prefetch = 0 : i64, scratch_operands = 0 : i64, tpu.core_type = #tpu.core_type<tc>, window_params = [{transform_indices = @transform_0, window_bounds = array<i64: 1, 1000, 128>}, {transform_indices = @transform_1, window_bounds = array<i64: 1, 1000, 128>}, {pipeline_mode = #tpu.pipeline_mode<synchronous>, transform_indices = @transform_2, window_bounds = array<i64: 128, 128>}, {pipeline_mode = #tpu.pipeline_mode<synchronous>, transform_indices = @transform_3, window_bounds = array<i64: 1, 128>}, {transform_indices = @transform_4, window_bounds = array<i64: 1000, 128>}]} {
    %get3A = arith.constant 0 : index
    %get3A_0 = arith.constant 0 : index
    %get3A_1 = arith.constant 0 : index
    %get3A_2 = vector.load %arg1[%get3A, %get3A_0, %get3A_1] : memref<1x1000x128xf32, #tpu.memory_space<vmem>>, vector<1x1000x128xf32>
    %get3A_3 = vector.shape_cast %get3A_2 : vector<1x1000x128xf32> to vector<1000x128xf32>
    %get3A_4 = arith.constant 0 : index
    %get3A_5 = arith.constant 0 : index
    %get3A_6 = arith.constant 0 : index
    %get3A_7 = vector.load %arg2[%get3A_4, %get3A_5, %get3A_6] : memref<1x1000x128xf32, #tpu.memory_space<vmem>>, vector<1x1000x128xf32>
    %get3A_8 = vector.shape_cast %get3A_7 : vector<1x1000x128xf32> to vector<1000x128xf32>
    %add3A = arith.addf %get3A_3, %get3A_8 : vector<1000x128xf32>
    %get3A_9 = arith.constant 0 : index
    %get3A_10 = arith.constant 0 : index
    %get3A_11 = vector.load %arg3[%get3A_9, %get3A_10] : memref<128x128xf32, #tpu.memory_space<vmem>>, vector<128x128xf32>
    %dot_general3A = arith.constant dense<0.000000e+00> : vector<1000x128xf32>
    %dot_general3A_12 = tpu.matmul %add3A, %get3A_11, %dot_general3A {dimension_numbers = #tpu.dot_dimension_numbers<[1], [0], [0], [1], [0, 0, 1, 1], [], []>, transpose_lhs_hint = false} : vector<1000x128xf32>, vector<128x128xf32>, vector<1000x128xf32> -> vector<1000x128xf32>
    %get3A_13 = arith.constant 0 : index
    %get3A_14 = arith.constant 0 : index
    %get3A_15 = vector.load %arg4[%get3A_13, %get3A_14] : memref<1x128xf32, #tpu.memory_space<vmem>>, vector<1x128xf32>
    %add3A_16 = vector.broadcast %get3A_15 : vector<1x128xf32> to vector<1000x128xf32>
    %add3A_17 = arith.addf %dot_general3A_12, %add3A_16 : vector<1000x128xf32>
    %max3A = arith.constant 0.000000e+00 : f32
    %max3A_18 = vector.broadcast %max3A : f32 to vector<1000x128xf32>
    %max3A_19 = arith.maximumf %add3A_17, %max3A_18 : vector<1000x128xf32>
    %swap3A = arith.constant 0 : index
    %swap3A_20 = arith.constant 0 : index
    %swap3A_21 = vector.load %arg5[%swap3A, %swap3A_20] : memref<1000x128xf32, #tpu.memory_space<vmem>>, vector<1000x128xf32>
    tpu.vector_store %arg5[%swap3A, %swap3A_20], %max3A_19 {strides = array<i32>} : memref<1000x128xf32, #tpu.memory_space<vmem>>, vector<1000x128xf32>,
    return
  }
  func.func @transform_0(%arg0: i32) -> (i32, i32, i32) {
    %c0_i32 = arith.constant 0 : i32
    %c0_i32_0 = arith.constant 0 : i32
    %c0_i32_1 = arith.constant 0 : i32
    return %c0_i32, %arg0, %c0_i32_0 : i32, i32, i32
  }
  func.func @transform_1(%arg0: i32) -> (i32, i32, i32) {
    %c1_i32 = arith.constant 1 : i32
    %c0_i32 = arith.constant 0 : i32
    %c0_i32_0 = arith.constant 0 : i32
    return %c1_i32, %arg0, %c0_i32 : i32, i32, i32
  }
  func.func @transform_2(%arg0: i32) -> (i32, i32) {
    %c0_i32 = arith.constant 0 : i32
    %c0_i32_0 = arith.constant 0 : i32
    %c0_i32_1 = arith.constant 0 : i32
    return %c0_i32, %c0_i32_0 : i32, i32
  }
  func.func @transform_3(%arg0: i32) -> (i32, i32) {
    %c0_i32 = arith.constant 0 : i32
    %c0_i32_0 = arith.constant 0 : i32
    %c0_i32_1 = arith.constant 0 : i32
    return %c0_i32, %c0_i32_0 : i32, i32
  }
  func.func @transform_4(%arg0: i32) -> (i32, i32) {
    %c0_i32 = arith.constant 0 : i32
    %c0_i32_0 = arith.constant 0 : i32
    return %arg0, %c0_i32 : i32, i32
  }
}

</mosaic_0001>

<sc_bundles>
// kernel: kernel.4.cloned.1.call-start
scs
__scs_entry_jumppad:
0x0: {  	(pc) =	sbr.rel $0x88, $3  }
0x1: {  	(tag) =	ssettag $0x0;
	lr =	simm.s32 $0x1  }
0x2: {  	[smem:$0x3F9D] =	sst lr;
	_ =	strace $0xD0000000  }
0x3: {  	_ = 	snop  }
0x4: {  	_ = 	snop  }
0x5: {  	_ = 	snop  }
0x6: {  	_ = 	snop  }
0x7: {  	_ = 	snop  }
__scs_overlays_trampoline_lowered:
0x8: {  	[smem:$0x3FAC] =	sst s0  }
0x9: {  	[smem:$0x3FAD] =	sst s1  }
0xa: {  	[smem:$0x3FAE] =	sst s2  }
0xb: {  	[smem:$0x3FAF] =	sst s3  }
0xc: {  	[smem:$0x3FB0] =	sst s4  }
0xd: {  	[smem:$0x3FB1] =	sst s5  }
0xe: {  	[smem:$0x3FB2] =	sst s6  }
0xf: {  	[smem:$0x3FB3] =	sst s7  }
0x10: {  	[smem:$0x3FB4] =	sst s8  }
0x11: {  	[smem:$0x3FB5] =	sst s9;
	s0 =	simm.s32 @!p0 $0x0  }
0x12: {  	s1 =	sld [smem:$0x3F9B];
	s0 =	simm.s32 @p0 $0x1  }
0x13: {  	[smem:$0x3FB6] =	sst s0;
	s0 =	simm.s32 @!p1 $0x0  }
0x14: {  	s2 =	sld [smem:$0x3F9A];
	s0 =	simm.s32 @p1 $0x1  }
0x15: {  	[smem:$0x3FB7] =	sst s0;
	s0 =	simm.s32 @!p2 $0x0  }
0x16: {  	s3 =	sld [smem:$0x3FDB];
	s0 =	simm.s32 @p2 $0x1  }
0x17: {  	s4 =	simm.s32 $0x1BF5;
	[smem:$0x3FB9] =	sst s0  }
0x18: {  	s0 =	sld [smem:$0x3F9C];
	_ =	swait.ge [sflag:s4], $0x0  }
0x19: {  	s7 =	sld [smem:$0x3F9D]  }
0x1a: {  	s8 =	sadd.s32 $0xFFFFE003, lr  }
0x1b: {  	s9 =	sadd.s32 $0xFFFFFEF7, lr;
	s5 =	simm.s32 $0xFFFFFFFF;
	p2 =	slt.u32 s8, $0xFFFFF086  }
0x1c: {  	p1 =	slt.u32 s9, $0xF7A;
	s5 =	simm.s32 @!p2 $0x0  }
0x1d: {  	s5 =	simm.s32 @p1 $0x1;
	p0 =	seq.s32 s7, s2  }
0x1e: {  	s7 =	smul.u32 @!p0 $0xF7A, s2;
	p2 =	seq.s32 @!p0 s5, $0x0  }
0x1f: {  	s9 =	smul.u32 $0xF7A, s1;
	s8 =	simm.s32 @!p0 $0x1BF5;
	p2 =	por !p2, p0  }
0x20: {  	[sflag:s8] =	ssyncset.s32 @!p0 $0xFFFFF086;
	s6 =	sadd.s32 @!p0 s3, s7;
	s7 =	simm.s32 @!p0 $0x108  }
0x21: {  	s3 =	sadd.s32 s3, s9;
	s6 =	sadd.s32 @!p0 $0x88, s6;
	s7 =	simm.s32 @p2 $0x1082  }
0x22: {  	[simem:s7], [sflag:s8] =	dma.local @!p0 [hbm:s6], $0xF7A  }
0x23: {  	s9 =	sor.u32 $0xD0000000, s2;
	s6 =	simm.s32 $0x108;
	_ =	swait.ge @!p0 [sflag:s8], $0x0  }
0x24: {  	s3 =	sadd.s32 $0x88, s3;
	s6 =	simm.s32 @!p1 $0x1082;
	[sflag:s4] =	ssyncset.s32 $0xFFFFF086  }
0x25: {  	[simem:s6], [sflag:s4] =	dma.local [hbm:s3], $0xF7A  }
0x26: {  	[smem:$0x3F9D] =	sst s1;
	(tag) =	ssettag s2;
	_ =	strace s9  }
0x27: {  	s1 =	sld [smem:$0x3FAD]  }
0x28: {  	s2 =	sld [smem:$0x3FAE]  }
0x29: {  	s4 =	sld [smem:$0x3FB0]  }
0x2a: {  	p0 =	seq.s32 s5, $0x0;
	s5 =	sld [smem:$0x3FB1]  }
0x2b: {  	s6 =	sld [smem:$0x3FB2]  }
0x2c: {  	s7 =	sld [smem:$0x3FB3]  }
0x2d: {  	s3 =	simm.s32 $0x108;
	s8 =	sld [smem:$0x3FB4]  }
0x2e: {  	s3 =	simm.s32 @!p0 $0x1082;
	s9 =	sld [smem:$0x3FB5]  }
0x2f: {  	lr =	sadd.s32 s0, s3;
	s0 =	sld [smem:$0x3FAC]  }
0x30: {  	s3 =	sld [smem:$0x3FAF]  }
0x31: {  	[smem:$0x3FB8] =	sst s10  }
0x32: {  	s10 =	sld [smem:$0x3FB6];
	_ =	sdelay $0x3  }
0x33: {  	p0 =	seq.s32 s10, $0x1;
	s10 =	sld [smem:$0x3FB8];
	_ =	sdelay $0x3  }
0x34: {  	[smem:$0x3FB8] =	sst s10  }
0x35: {  	s10 =	sld [smem:$0x3FB7];
	_ =	sdelay $0x3  }
0x36: {  	p1 =	seq.s32 s10, $0x1;
	s10 =	sld [smem:$0x3FB8];
	_ =	sdelay $0x3  }
0x37: {  	[smem:$0x3FB8] =	sst s10  }
0x38: {  	s10 =	sld [smem:$0x3FB9]  }
0x39: {  	_ = 	snop;
	(pc) =	sbr.ind lr, $3  }
0x3a: {  	_ = 	snop  }
0x3b: {  	_ = 	snop  }
0x3c: {  	p2 =	seq.s32 s10, $0x1;
	s10 =	sld [smem:$0x3FB8]  }
0x3d: {  	_ =	shalt  }
0x3e: {  	_ =	shalt  }
0x3f: {  	_ =	shalt  }
0x40: {  	_ =	shalt  }
0x41: {  	_ =	shalt  }
0x42: {  	_ =	shalt  }
0x43: {  	_ =	shalt  }
0x44: {  	_ =	shalt  }
0x45: {  	_ =	shalt  }
0x46: {  	_ =	shalt  }
0x47: {  	_ =	shalt  }
0x48: {  	_ =	shalt  }
0x49: {  	_ =	shalt  }
0x4a: {  	_ =	shalt  }
0x4b: {  	_ =	shalt  }
0x4c: {  	_ =	shalt  }
0x4d: {  	_ =	shalt  }
0x4e: {  	_ =	shalt  }
0x4f: {  	_ =	shalt  }
0x50: {  	_ =	shalt  }
0x51: {  	_ =	shalt  }
0x52: {  	_ =	shalt  }
0x53: {  	_ =	shalt  }
0x54: {  	_ =	shalt  }
0x55: {  	_ =	shalt  }
0x56: {  	_ =	shalt  }
0x57: {  	_ =	shalt  }
0x58: {  	_ =	shalt  }
0x59: {  	_ =	shalt  }
0x5a: {  	_ =	shalt  }
0x5b: {  	_ =	shalt  }
0x5c: {  	_ =	shalt  }
0x5d: {  	_ =	shalt  }
0x5e: {  	_ =	shalt  }
0x5f: {  	_ =	shalt  }
0x60: {  	_ =	shalt  }
0x61: {  	_ =	shalt  }
0x62: {  	_ =	shalt  }
0x63: {  	_ =	shalt  }
0x64: {  	_ =	shalt  }
0x65: {  	_ =	shalt  }
0x66: {  	_ =	shalt  }
0x67: {  	_ =	shalt  }
0x68: {  	_ =	shalt  }
0x69: {  	_ =	shalt  }
0x6a: {  	_ =	shalt  }
0x6b: {  	_ =	shalt  }
0x6c: {  	_ =	shalt  }
0x6d: {  	_ =	shalt  }
0x6e: {  	_ =	shalt  }
0x6f: {  	_ =	shalt  }
0x70: {  	_ =	shalt  }
0x71: {  	_ =	shalt  }
0x72: {  	_ =	shalt  }
0x73: {  	_ =	shalt  }
0x74: {  	_ =	shalt  }
0x75: {  	_ =	shalt  }
0x76: {  	_ =	shalt  }
0x77: {  	_ =	shalt  }
0x78: {  	_ =	shalt  }
0x79: {  	_ =	shalt  }
0x7a: {  	_ =	shalt  }
0x7b: {  	_ =	shalt  }
0x7c: {  	_ =	shalt  }
0x7d: {  	_ =	shalt  }
0x7e: {  	_ =	shalt  }
0x7f: {  	_ =	shalt  }
0x80: {  	_ =	shalt  }
0x81: {  	_ =	shalt  }
0x82: {  	_ =	shalt  }
0x83: {  	_ =	shalt  }
0x84: {  	_ =	shalt  }
0x85: {  	_ =	shalt  }
0x86: {  	_ =	shalt  }
0x87: {  	_ =	shalt  }
.Lfunc_end0:
.L_simem_size_0:
called_computation_lowered:
.L_overlay_start_0:
0x88: {  	s2 =	sld [smem:$0x3FD9]  }
0x89: {  	s3 =	sld [smem:$0x3FFE];
	_ =	sdelay $0x1  }
0x8a: {  	s1 =	srdreg.scid  }
0x8b: {  	s0 =	sand.u32 $0x1, s1  }
0x8c: {  	s17 =	sshll.u32 s0, $0xA;
	s2 =	sadd.s32 s3, s2  }
0x8d: {  	s2 =	sadd.s32 s2, s17  }
0x8e: {  	[smem:$0x3FC4] =	sst s2  }
0x8f: {  	_ = 	snop  }
0x90: {  	s2 =	sld [smem:$0x3FC9]  }
0x91: {  	s18 =	sld [smem:$0x3FD0];
	(tm) =	ssettm $0x1  }
0x92: {  	s4 =	sld [smem:$0x3FFB];
	_ =	sdelay $0x3  }
0x93: {  	_ =	strace s4  }
0x94: {  	s4 =	sld [smem:$0x3FFC];
	_ =	sdelay $0x3  }
0x95: {  	_ =	strace s4  }
0x96: {  	s4 =	sld [smem:$0x3FFD];
	_ =	sdelay $0x3  }
0x97: {  	_ =	strace s4  }
0x98: {  	_ =	strace $0x8FFFFFFF  }
0x99: {  	s19 =	sld [smem:$0x3FDB];
	_ =	sdelay $0x1  }
0x9a: {  	s5 =	simm.s32 $_scs_section_size  }
0x9b: {  	s6 =	simm.s32 $_size__tile_overlayer_lowered;
	s7 =	simm.s32 $_tile_overlayer_lowered  }
0x9c: {  	s22 =	simm.s32 $0x1BFF;
	s21 =	sshll.u32 s7, $0x1;
	s4 =	sadd.s32 s5, s19  }
0x9d: {  	s8 =	simm.s32 $0x0;
	s20 =	sshll.u32 s6, $0x1;
	s6 =	sadd.s32 s21, s4  }
0x9e: {  	[timem:s8], [sflag:s22] =	dma.local [hbm:s6], s20  }
0x9f: {  	_ =	swait.ge [sflag:s22], s20  }
0xa0: {  	s5 =	ssub.s32 $0x0, s20;
	[sflag:s22] =	ssyncset.done $0x0  }
0xa1: {  	[sflag:s22] =	ssyncadd.s32 s5;
	_ =	sdelay $0x1  }
0xa2: {  	s23 =	simm.s32 $0x1B8B  }
0xa3: {  	_ =	swait.ge [sflag:s23], $0x1  }
0xa4: {  	[sflag:s23] =	ssyncset.done $0x0  }
0xa5: {  	s25 =	simm.s32 $0x1B8E;
	s24 =	sld [smem:$0x3FFE];
	[sflag:s23] =	ssyncadd.s32 $0xFFFFFFFF  }
0xa6: {  	s26 =	simm.s32 $execute0_lowered;
	[smem:$0x3FD2] =	sst s25  }
0xa7: {  	s6 =	sshll.u32 s26, $0x1;
	_ =	strace $0x80000046;
	[dreg:$0x1] =	wrdreg $0xFFFFFFFF  }
0xa8: {  	s28 =	simm.s32 $_size_execute0_lowered;
	s4 =	sadd.s32 s4, s6;
	[dreg:$0x0] =	wrdreg $0x0  }
0xa9: {  	s6 =	sshll.u32 s28, $0x1;
	[dreg:$0x2] =	wrdreg s4  }
0xaa: {  	[dreg:$0x3] =	wrdreg s6  }
0xab: {  	[dreg:$0x4] =	wrdreg $0xC0  }
0xac: {  	_ =	task [dreg:s8], $0x5FFFF  }
0xad: {  	[dreg:$0x1] =	wrdreg $0xFFFFFFFF  }
0xae: {  	[dreg:$0x0] =	wrdreg $0x60  }
0xaf: {  	[dreg:$0x2] =	wrdreg s18  }
0xb0: {  	[dreg:$0x3] =	wrdreg s2  }
0xb1: {  	[dreg:$0x4] =	wrdreg s24  }
0xb2: {  	[dreg:$0x5] =	wrdreg $0xAE200  }
0xb3: {  	[dreg:$0x6] =	wrdreg $0x9  }
0xb4: {  	_ =	task.clear_ibuf [dreg:s8], $0x7FFFF;
	_ =	strace $0x90000046  }
0xb5: {  	s29 =	simm.s32 $0x9;
	_ =	strace $0x80000048  }
0xb6: {  	_ =	swait.ge [sflag:s29], $0x1  }
0xb7: {  	[sflag:s29] =	ssyncadd.s32 $0xFFFFFFFF  }
0xb8: {  	_ =	strace $0x90000048  }
0xb9: {  	_ =	sfence  }
0xba: {  	s30 =	sld [smem:$0x0];
	_ =	sdelay $0x2  }
0xbb: {  	s31 =	sshll.u32 s1, $0xD;
	s1 =	sshrl.u32 s1, $0x2  }
0xbc: {  	s3 =	sand.u32 $0x4000, s31;
	s1 =	sadd.s32 s1, s30  }
0xbd: {  	s0 =	sor.u32 s3, s0;
	s1 =	sshll.u32 s1, $0x11  }
0xbe: {  	s0 =	sor.u32 s1, s0  }
0xbf: {  	s0 =	sadd.s32 $0x8F2B, s0  }
0xc0: {  	[sflag:s0] =	ssyncadd.remote.s32 $0x1  }
0xc1: {  	_ =	sfence.sel $0xFFFF  }
0xc2: {  	[dreg:$0x0] =	wrdreg $0xFFFFFFFF;
	(pc) =	sbr.abs _section_cstart, $3  }
0xc3: {  	[dreg:$0x1] =	wrdreg $0xFFFFFFFF  }
0xc4: {  	_ =	task.clear_ibuf [dreg:s8], $0x2FFFF;
	_ =	strace $0x9FFFFFFF  }
0xc5: {  	(tm) =	ssettm $0x7FFFFFFF  }
tec
execute0_lowered:
.L_overlay_start_1:
0x0: {  	(tag) =	ssettag $0x1  }
0x1: {  	s0 =	rddreg [dreg:$0x0]  }
0x2: {  	s1 =	rddreg [dreg:$0x1]  }
0x3: {  	s2 =	srdreg.scid;
	s5 =	rddreg [dreg:$0x2]  }
0x4: {  	s9 =	stileid.u32;
	s3 =	rddreg [dreg:$0x3];
	s4 =	simm.s32 $0x0  }
0x5: {  	s18 =	simm.s32 $0x4E20;
	s19 =	simm.s32 $0x3;
	s20 =	simm.s32 $0x60  }
0x6: {  	s21 =	simm.s32 $0x7E20;
	s22 =	simm.s32 $0x1;
	s23 =	simm.s32 $0x4  }
0x7: {  	s28 =	simm.s32 $0x10;
	s29 =	simm.s32 $0x2700;
	s30 =	simm.s32 $0x4E10  }
0x8: {  	s31 =	simm.s32 $0x0;
	s2 =	sand.u32 $0x1, s2;
	s7 =	smul.u32 $0x14000, s9  }
0x9: {  	[smem:$0x7FF] =	sst s4;
	s6 =	smul.u32 $0x140000, s2;
	s8 =	sshll.u32 s2, $0x4  }
0xa: {  	s2 =	ssub.s32 $0x2, s2;
	s8 =	sor.u32 s9, s8;
	s9 =	smul.u32 $0x50000, s9  }
0xb: {  	_ =	strace $0x80000047;
	s25 =	sshrl.u32 s2, $0x1;
	s8 =	smul.u32 $0x2710, s8  }
0xc: {  	s6 =	sadd.s32 s7, s6;
	s2 =	ssub.s32 s2, s25;
	s7 =	sadd.s32 s7, s3  }
0xd: {  	s6 =	sshrl.u32 s6, $0x3;
	s26 =	sshrl.u32 s9, $0x2;
	s24 =	sshrl.u32 s8, $0x3  }
0xe: {  	s16 =	smax.u32 s2, $0x1;
	s15 =	sadd.s32 s6, s5;
	s5 =	sadd.s32 s0, s24  }
0xf: {  	s0 =	sadd.s32 s26, s3;
	s15 =	sadd.s32 $0xA00, s15;
	s24 =	simm.s32 $0x2  }
0x10: {  	s26 =	simm.s32 $0x4DB0;
	s6 =	sadd.s32 $0x9C40, s5;
	s8 =	sadd.s32 $0x2800, s0  }
0x11: {  	s9 =	sadd.s32 $0x5000, s0;
	s10 =	sadd.s32 $0x7800, s0;
	s11 =	sadd.s32 $0xA000, s0  }
0x12: {  	v0 =	vimm.f32 $0.0e+00;
	s12 =	sadd.s32 $0xC800, s0;
	s13 =	sadd.s32 $0xF000, s0;
	s14 =	sadd.s32 $0x11800, s0  }
.LBB2_1:
0x13: {  	[tilespmem:s4], [sflag:$0x3] =	stream.linear.gather [hbm4b:s5+s4], $0x2710, $0x38;
	[tilespmem:$0x1EE20] =	vst v63  }
0x14: {  	s0 =	simm.s32 $0x2710;
	s25 =	sand.u32 $0xFE00, s4  }
0x15: {  	[tilespmem:s0], [sflag:$0x3] =	stream.linear.gather [hbm4b:s6+s4], $0x2710, $0x38;
	[tilespmem:$0x1EE20] =	vst v63  }
0x16: {  	s17 =	sand.u32 $0x70, s4;
	s0 =	sshrl.u32 s25, $0x2  }
0x17: {  	s2 =	simm.s32 $0x40;
	s17 =	sor.u32 s17, s0;
	s0 =	simm.s32 $0x0  }
.LBB2_2:
0x18: {  	p0 =	sne.s32 s2, $0x9FC0  }
0x19: {  	[tilespmem:s17+$0x4E20] =	vst v0;
	s0 =	sadd.s32 $0x10, s0;
	s17 =	smov.u32 s2;
	s2 =	sadd.s32 $0x40, s2  }
.Ltmp0:
0x1a: {  	(pc) =	sbr.rel @p0 .LBB2_2-.Ltmp0, $4  }
0x1b: {  	_ = 	snop  }
0x1c: {  	s17 =	sand.u32 $0xFE00, s17  }
0x1d: {  	s25 =	sand.u32 $0x70, s0;
	s17 =	sshrl.u32 s17, $0x2  }
0x1e: {  	s17 =	sor.u32 s25, s17  }
0x1f: {  	[tilespmem:s17+$0x4E20] =	vst v0  }
0x20: {  	[spmem:s7] =	stream.linear.scatter [tilespmem:s18], [sflag:$0x3], $0x2800, $0x38;
	[tilespmem:$0x1EE20] =	vst v63  }
0x21: {  	_ = 	snop  }
0x22: {  	[spmem:s8] =	stream.linear.scatter [tilespmem:s18], [sflag:$0x3], $0x2800, $0x38;
	[tilespmem:$0x1EE20] =	vst v63  }
0x23: {  	_ = 	snop  }
0x24: {  	[spmem:s9] =	stream.linear.scatter [tilespmem:s18], [sflag:$0x3], $0x2800, $0x38;
	[tilespmem:$0x1EE20] =	vst v63  }
0x25: {  	_ = 	snop  }
0x26: {  	[spmem:s10] =	stream.linear.scatter [tilespmem:s18], [sflag:$0x3], $0x2800, $0x38;
	[tilespmem:$0x1EE20] =	vst v63  }
0x27: {  	_ = 	snop  }
0x28: {  	[spmem:s11] =	stream.linear.scatter [tilespmem:s18], [sflag:$0x3], $0x2800, $0x38;
	[tilespmem:$0x1EE20] =	vst v63  }
0x29: {  	_ = 	snop  }
0x2a: {  	[spmem:s12] =	stream.linear.scatter [tilespmem:s18], [sflag:$0x3], $0x2800, $0x38;
	[tilespmem:$0x1EE20] =	vst v63  }
0x2b: {  	_ = 	snop  }
0x2c: {  	[spmem:s13] =	stream.linear.scatter [tilespmem:s18], [sflag:$0x3], $0x2800, $0x38;
	[tilespmem:$0x1EE20] =	vst v63  }
0x2d: {  	_ = 	snop  }
0x2e: {  	[spmem:s14] =	stream.linear.scatter [tilespmem:s18], [sflag:$0x3], $0x2800, $0x38;
	[tilespmem:$0x1EE20] =	vst v63  }
0x2f: {  	_ =	swait.ge [sflag:s19], $0x2800  }
0x30: {  	[sflag:s19] =	ssyncset.done $0x0  }
0x31: {  	[sflag:s19] =	ssyncadd.s32 $0xFFFFD800  }
0x32: {  	_ =	swait.ge [sflag:s19], $0x2800  }
0x33: {  	[sflag:s19] =	ssyncset.done $0x0  }
0x34: {  	[sflag:s19] =	ssyncadd.s32 $0xFFFFD800  }
0x35: {  	_ =	swait.ge [sflag:s19], $0x2800  }
0x36: {  	[sflag:s19] =	ssyncset.done $0x0  }
0x37: {  	[sflag:s19] =	ssyncadd.s32 $0xFFFFD800  }
0x38: {  	_ =	swait.ge [sflag:s19], $0x2800  }
0x39: {  	[sflag:s19] =	ssyncset.done $0x0  }
0x3a: {  	[sflag:s19] =	ssyncadd.s32 $0xFFFFD800  }
0x3b: {  	_ =	swait.ge [sflag:s19], $0x2800  }
0x3c: {  	[sflag:s19] =	ssyncset.done $0x0  }
0x3d: {  	[sflag:s19] =	ssyncadd.s32 $0xFFFFD800  }
0x3e: {  	_ =	swait.ge [sflag:s19], $0x2800  }
0x3f: {  	[sflag:s19] =	ssyncset.done $0x0  }
0x40: {  	[sflag:s19] =	ssyncadd.s32 $0xFFFFD800  }
0x41: {  	_ =	swait.ge [sflag:s19], $0x2800  }
0x42: {  	[sflag:s19] =	ssyncset.done $0x0  }
0x43: {  	[sflag:s19] =	ssyncadd.s32 $0xFFFFD800  }
0x44: {  	_ =	swait.ge [sflag:s19], $0x2800  }
0x45: {  	[sflag:s19] =	ssyncset.done $0x0  }
0x46: {  	[sflag:s19] =	ssyncadd.s32 $0xFFFFD800  }
0x47: {  	_ =	swait.ge [sflag:s19], $0x2710  }
0x48: {  	[sflag:s19] =	ssyncset.done $0x0  }
0x49: {  	[sflag:s19] =	ssyncadd.s32 $0xFFFFD8F0  }
0x4a: {  	_ =	swait.ge [sflag:s19], $0x2710  }
0x4b: {  	[sflag:s19] =	ssyncset.done $0x0  }
0x4c: {  	[sflag:s19] =	ssyncadd.s32 $0xFFFFD8F0  }
0x4d: {  	s0 =	simm.s32 $0x0;
	[bflag:$0x0] =	sbarrier.arrive $0xFFFF  }
0x4e: {  	[tilespmem:s18], [sflag:$0x1] =	stream.indirect.gather [hbm4b:s1+s20], $0x80, s0, s20, $0xb8;
	[tilespmem:$0x1EE20] =	vst v63  }
0x4f: {  	_ = 	snop  }
0x50: {  	[tilespmem:s21], [sflag:$0x2] =	stream.indirect.gather [hbm4b:s1+s20], $0x80, s20, s20, $0xb8;
	[tilespmem:$0x1EE20] =	vst v63  }
0x51: {  	_ =	swait.ge [sflag:s22], $0x3000  }
0x52: {  	[sflag:s22] =	ssyncset.done $0x0  }
0x53: {  	s2 =	simm.s32 $0x2710;
	[sflag:s22] =	ssyncadd.s32 $0xFFFFD000  }
0x54: {  	[spmem:s3] =	stream.indirect.scatter.add.f32 [tilespmem:s18], [sflag:$0x4], $0x80, s2, s20, $0xb8;
	[tilespmem:$0x1EE20] =	vst v63  }
0x55: {  	_ =	swait.ge [sflag:s23], $0x3000  }
0x56: {  	[sflag:s23] =	ssyncset.done $0x0  }
0x57: {  	s17 =	simm.s32 $0xC0;
	[sflag:s23] =	ssyncadd.s32 $0xFFFFD000  }
0x58: {  	[tilespmem:s18], [sflag:$0x1] =	stream.indirect.gather [hbm4b:s1+s20], $0x80, s17, s20, $0xb8;
	[tilespmem:$0x1EE20] =	vst v63  }
0x59: {  	_ =	swait.ge [sflag:s24], $0x3000  }
0x5a: {  	[sflag:s24] =	ssyncset.done $0x0  }
0x5b: {  	s25 =	simm.s32 $0x2770;
	[sflag:s24] =	ssyncadd.s32 $0xFFFFD000  }
0x5c: {  	[spmem:s3] =	stream.indirect.scatter.add.f32 [tilespmem:s21], [sflag:$0x4], $0x80, s25, s20, $0xb8;
	[tilespmem:$0x1EE20] =	vst v63  }
0x5d: {  	_ =	swait.ge [sflag:s23], $0x3000  }
0x5e: {  	[sflag:s23] =	ssyncset.done $0x0  }
0x5f: {  	s0 =	simm.s32 $0x120;
	s2 =	simm.s32 $0x300;
	[sflag:s23] =	ssyncadd.s32 $0xFFFFD000  }
.LBB2_4:
0x60: {  	[tilespmem:s21], [sflag:$0x2] =	stream.indirect.gather [hbm4b:s1+s20], $0x80, s0, s20, $0xb8;
	[tilespmem:$0x1EE20] =	vst v63  }
0x61: {  	s0 =	smov.u32 s2  }
0x62: {  	p0 =	sne.s32 s2, $0x9600;
	s2 =	sadd.s32 $0x300, s2;
	_ =	swait.ge [sflag:s22], $0x3000  }
0x63: {  	s0 =	sshra.s32 s0, $0x2;
	[sflag:s22] =	ssyncset.done $0x0  }
0x64: {  	s17 =	sadd.s32 $0x2710, s0;
	[sflag:s22] =	ssyncadd.s32 $0xFFFFD000  }
0x65: {  	[spmem:s3] =	stream.indirect.scatter.add.f32 [tilespmem:s18], [sflag:$0x4], $0x80, s17, s20, $0xb8;
	[tilespmem:$0x1EE20] =	vst v63  }
0x66: {  	_ =	swait.ge [sflag:s23], $0x3000  }
0x67: {  	[sflag:s23] =	ssyncset.done $0x0  }
0x68: {  	s17 =	sadd.s32 $0xC0, s0;
	[sflag:s23] =	ssyncadd.s32 $0xFFFFD000  }
0x69: {  	[tilespmem:s18], [sflag:$0x1] =	stream.indirect.gather [hbm4b:s1+s20], $0x80, s17, s20, $0xb8;
	[tilespmem:$0x1EE20] =	vst v63  }
0x6a: {  	_ =	swait.ge [sflag:s24], $0x3000  }
0x6b: {  	[sflag:s24] =	ssyncset.done $0x0  }
.Ltmp1:
0x6c: {  	s17 =	sadd.s32 $0x2770, s0;
	[sflag:s24] =	ssyncadd.s32 $0xFFFFD000;
	(pc) =	sbr.rel @p0 .LBB2_4-.Ltmp1, $4  }
0x6d: {  	[spmem:s3] =	stream.indirect.scatter.add.f32 [tilespmem:s21], [sflag:$0x4], $0x80, s17, s20, $0xb8;
	[tilespmem:$0x1EE20] =	vst v63  }
0x6e: {  	_ =	swait.ge [sflag:s23], $0x3000  }
0x6f: {  	[sflag:s23] =	ssyncset.done $0x0  }
0x70: {  	s0 =	sadd.s32 $0x120, s0;
	[sflag:s23] =	ssyncadd.s32 $0xFFFFD000  }
0x71: {  	[tilespmem:s21], [sflag:$0x2] =	stream.indirect.gather [hbm4b:s1+s20], $0x80, s0, s20, $0xb8;
	[tilespmem:$0x1EE20] =	vst v63  }
0x72: {  	_ =	swait.ge [sflag:s22], $0x3000  }
0x73: {  	[sflag:s22] =	ssyncset.done $0x0  }
0x74: {  	s17 =	simm.s32 $0x4D50;
	[sflag:s22] =	ssyncadd.s32 $0xFFFFD000  }
0x75: {  	[spmem:s3] =	stream.indirect.scatter.add.f32 [tilespmem:s18], [sflag:$0x4], $0x80, s17, s20, $0xb8;
	[tilespmem:$0x1EE20] =	vst v63  }
0x76: {  	_ =	swait.ge [sflag:s23], $0x3000  }
0x77: {  	[sflag:s23] =	ssyncset.done $0x0  }
0x78: {  	[sflag:s23] =	ssyncadd.s32 $0xFFFFD000  }
0x79: {  	_ =	swait.ge [sflag:s24], $0x3000  }
0x7a: {  	[sflag:s24] =	ssyncset.done $0x0  }
0x7b: {  	[sflag:s24] =	ssyncadd.s32 $0xFFFFD000  }
0x7c: {  	[spmem:s3] =	stream.indirect.scatter.add.f32 [tilespmem:s21], [sflag:$0x4], $0x80, s26, s20, $0xb8;
	[tilespmem:$0x1EE20] =	vst v63  }
0x7d: {  	_ =	swait.ge [sflag:s23], $0x3000  }
0x7e: {  	[sflag:s23] =	ssyncset.done $0x0  }
0x7f: {  	[sflag:s23] =	ssyncadd.s32 $0xFFFFD000  }
0x80: {  	[tilespmem:s18], [sflag:$0x1] =	stream.indirect.gather [hbm4b:s1+s28], $0x80, s29, s28, $0xb8;
	[tilespmem:$0x1EE20] =	vst v63  }
0x81: {  	_ =	swait.ge [sflag:s22], $0x800  }
0x82: {  	[sflag:s22] =	ssyncset.done $0x0  }
0x83: {  	[sflag:s22] =	ssyncadd.s32 $0xFFFFF800  }
0x84: {  	[spmem:s3] =	stream.indirect.scatter.add.f32 [tilespmem:s18], [sflag:$0x4], $0x80, s30, s28, $0xb8;
	[tilespmem:$0x1EE20] =	vst v63  }
0x85: {  	s25 =	stileid.u32;
	_ =	swait.ge [sflag:s23], $0x800  }
0x86: {  	s2 =	sshrl.u32 s7, $0x3;
	s31 =	sadd.s32 $0x1, s31;
	[sflag:s23] =	ssyncset.done $0x0  }
0x87: {  	s0 =	sshll.u32 s25, $0x6;
	p0 =	sne.s32 s31, s16;
	[sflag:s23] =	ssyncadd.s32 $0xFFFFF800  }
.Ltmp2:
0x88: {  	s0 =	sor.u32 $0x1C04, s0;
	[bflag:$0x0] =	sbarrier.arrive $0xFFFF;
	(pc) =	sbr.rel @p0 .LBB2_1-.Ltmp2, $4  }
0x89: {  	[hbm:s15], [sflag:s0] =	dma.local [spmem:s2], $0x2800  }
0x8a: {  	_ =	swait.ge [sflag:s23], $0x2800  }
0x8b: {  	[sflag:s23] =	ssyncset.done $0x0  }
0x8c: {  	[sflag:s23] =	ssyncadd.s32 $0xFFFFD800  }
0x8d: {  	_ =	sfence.sel $0x180000  }
0x8e: {  	[bflag:$0x0] =	sbarrier.arrive $0xFFFF  }
0x8f: {  	_ =	strace $0x90000047  }
0x90: {  	s0 =	stileid.u32;
	[bflag:$0x2] =	sbarrier.arrive $0xFFFF  }
0x91: {  	p0 =	sne.s32 s0, $0x0;
	s0 =	rddreg [dreg:$0x4]  }
0x92: {  	s0 =	sadd.s32 @!p0 $0x100000, s0  }
0x93: {  	[sflag:s0] =	ssyncadd.tile.s32 @!p0 $0x1;
	_ =	shalt  }
.Lfunc_end2:
_tile_overlayer_lowered:
.L_overlay_start_2:
0x94: {  	(tag) =	ssettag $0x2  }
0x95: {  	s0 =	rddreg [dreg:$0x0];
	s2 =	stileid.u32  }
0x96: {  	s1 =	rddreg [dreg:$0x1];
	p0 =	sne.s32 s2, $0x0  }
0x97: {  	s3 =	rddreg [dreg:$0x2];
	[bflag:$0x3] =	sbarrier.arrive $0xFFFF;
	s2 =	simm.s32 @!p0 $0x1C04  }
0x98: {  	[timem:s3], [sflag:s2] =	dma.local @!p0 [hbm:s0], s1  }
0x99: {  	s0 =	simm.s32 @!p0 $0x4  }
0x9a: {  	_ =	swait.ge @!p0 [sflag:s0], s1  }
0x9b: {  	s1 =	ssub.s32 @!p0 $0x0, s1;
	[sflag:s0] =	ssyncset.done @!p0 $0x0  }
0x9c: {  	[sflag:s0] =	ssyncadd.s32 @!p0 s1  }
0x9d: {  	[bflag:$0x3] =	sbarrier.arrive $0xFFFF  }
0x9e: {  	_ =	shalt  }

</sc_bundles>
